<compile_context>
chip_gen: v7x
topology: tpu7x:2x2x1
jax: 0.10.2.dev20260603
libtpu: 0.0.44.dev20260713+nightly
codegen_flags: <defaults>
</compile_context>

<pallas_src>
import functools

import jax
import jax.numpy as jnp
from jax import lax
from jax.experimental import pallas as pl
from jax.experimental.pallas import tpu as pltpu
from jax.experimental.pallas import tpu_sc as plsc

N = 10000
E = 320000
D = 128
H = 128
C = 40
L = 4
G = 64

NC = 2
NS = 16
NW = NC * NS
CHUNK = 128
NCH_F = 102
NCH_S = 55
CF = 0
E_F = NS * NCH_F * CHUNK
E_S = NS * NCH_S * CHUNK
N_PAD = 10112
ZROWS = N_PAD // NS

_mesh = plsc.VectorSubcoreMesh(
    core_axis_name="c", subcore_axis_name="s", num_cores=NC, num_subcores=NS)


def _agg_body(h_hbm, src_hbm, dst_hbm, zeros_hbm, out_hbm,
              idx_s, idx_d, rows, agg_sh, sem):
    c = lax.axis_index("c")
    s = lax.axis_index("s")

    pltpu.sync_copy(zeros_hbm.at[pl.ds(s * ZROWS, ZROWS)],
                    agg_sh.at[pl.ds(s * ZROWS, ZROWS)])
    pltpu.sync_copy(src_hbm.at[s, c], idx_s)
    pltpu.sync_copy(dst_hbm.at[s, c], idx_d)
    plsc.subcore_barrier()

    n = jnp.where(c == CF, NCH_F, NCH_S)

    @pl.loop(0, n)
    def _edge_chunk(j):
        pltpu.async_copy(h_hbm.at[idx_s.at[j]], rows, sem).wait()
        pltpu.sync_copy(rows, agg_sh.at[idx_d.at[j]], add=True)

    plsc.subcore_barrier()
    pltpu.sync_copy(agg_sh.at[pl.ds(s * ZROWS, ZROWS)],
                    out_hbm.at[c, pl.ds(s * ZROWS, ZROWS)])


_agg = pl.kernel(
    _agg_body,
    out_type=jax.ShapeDtypeStruct((NC, N_PAD, H), jnp.float32),
    mesh=_mesh,
    scratch_types=[
        pltpu.VMEM((NCH_F, CHUNK), jnp.int32),
        pltpu.VMEM((NCH_F, CHUNK), jnp.int32),
        pltpu.VMEM((CHUNK, H), jnp.float32),
        pltpu.VMEM_SHARED((N_PAD, H), jnp.float32),
        pltpu.SemaphoreType.DMA,
    ],
)


def _emb_body(x_ref, w_ref, b_ref, out_ref):
    out_ref[...] = (jnp.dot(x_ref[...], w_ref[...],
                            preferred_element_type=jnp.float32) + b_ref[...])


_emb = pl.pallas_call(
    _emb_body, out_shape=jax.ShapeDtypeStruct((N, H), jnp.float32))


def _bn(z, g, b):
    mu = jnp.mean(z, axis=0, keepdims=True)
    d = z - mu
    var = jnp.mean(d * d, axis=0, keepdims=True)
    return d * lax.rsqrt(var + 1e-5) * g + b


def _layer_body(h_ref, a0_ref, a1_ref, sc_ref, w1_ref, b1_ref, w2_ref, b2_ref,
                g1_ref, be1_ref, g2_ref, be2_ref, out_ref):
    h = h_ref[...]
    z = sc_ref[0, 0] * h + a0_ref[:N] + a1_ref[:N]
    z = jnp.dot(z, w1_ref[...], preferred_element_type=jnp.float32) + b1_ref[...]
    z = jnp.maximum(_bn(z, g1_ref[...], be1_ref[...]), 0.0)
    z = jnp.dot(z, w2_ref[...], preferred_element_type=jnp.float32) + b2_ref[...]
    z = jnp.maximum(_bn(z, g2_ref[...], be2_ref[...]), 0.0)
    out_ref[...] = h + z


_layer = pl.pallas_call(
    _layer_body, out_shape=jax.ShapeDtypeStruct((N, H), jnp.float32))


def _pool_body(h0_ref, h1_ref, h2_ref, h3_ref, h4_ref, batch_ref, wp_ref,
               bp_ref, out_ref):
    hs = (h0_ref, h1_ref, h2_ref, h3_ref, h4_ref)
    y = jnp.zeros((N, C), jnp.float32)
    for i in range(L + 1):
        y = y + jnp.dot(hs[i][...], wp_ref[i],
                        preferred_element_type=jnp.float32)
    gids = lax.broadcasted_iota(jnp.int32, (G, N), 0)
    onehot = (gids == jnp.broadcast_to(batch_ref[...], (G, N))).astype(jnp.float32)
    counts = jnp.sum(onehot, axis=1, keepdims=True)
    pooled = jnp.dot(onehot, y, preferred_element_type=jnp.float32)
    out_ref[...] = (pooled / jnp.maximum(counts, 1.0)
                    + jnp.sum(bp_ref[...], axis=0, keepdims=True))


_pool = pl.pallas_call(
    _pool_body, out_shape=jax.ShapeDtypeStruct((G, C), jnp.float32))


def kernel(x, edge_index, batch, W_emb, b_emb, eps, W1, b1, W2, b2,
           bn_mlp_g, bn_mlp_b, bn_g, bn_b, Wp, bp):
    def _split(ei, fill):
        fast = ei[:E_F].reshape(NS, NCH_F, CHUNK)
        tail = jnp.concatenate(
            [ei[E_F:], jnp.full((E_F + E_S - E,), fill, jnp.int32)])
        slow = jnp.concatenate(
            [tail.reshape(NS, NCH_S, CHUNK),
             jnp.full((NS, NCH_F - NCH_S, CHUNK), fill, jnp.int32)], axis=1)
        pair = (fast, slow) if CF == 0 else (slow, fast)
        return jnp.stack(pair, axis=1)

    src_p = _split(edge_index[0], 0)
    dst_p = _split(edge_index[1], N)
    zeros = jnp.zeros((N_PAD, H), jnp.float32)
    batch2 = batch.reshape(1, N)

    h = _emb(x, W_emb, b_emb.reshape(1, H))
    hidden = [h]
    for l in range(L):
        parts = _agg(h, src_p, dst_p, zeros)
        scale = (1.0 + eps[l]).reshape(1, 1)
        h = _layer(h, parts[0], parts[1], scale,
                   W1[l], b1[l].reshape(1, H), W2[l], b2[l].reshape(1, H),
                   bn_mlp_g[l].reshape(1, H), bn_mlp_b[l].reshape(1, H),
                   bn_g[l].reshape(1, H), bn_b[l].reshape(1, H))
        hidden.append(h)

    return _pool(hidden[0], hidden[1], hidden[2], hidden[3], hidden[4],
                 batch2, Wp, bp)

# --- scband reference (transcript-rebuilt; emitter-appended) ---
"""Pipeline reference for scband-ginnet-43061342110477 (READ-ONLY COPY).

The authoritative reference and input builder live on the scoring server;
editing this copy changes nothing except your own understanding.
"""

import jax, jax.numpy as jnp
import numpy as np

N = 10000
E = 320000
D = 128
H = 128
C = 40
L = 4
G = 64

def _bn(h, g, b):
    mu = jnp.mean(h, axis=0)
    var = jnp.var(h, axis=0)
    return (h - mu) / jnp.sqrt(var + 1e-5) * g + b

def setup_inputs(seed: int = 0):
    key = jax.random.key(seed)
    ks = jax.random.split(key, 16)
    x = jax.random.normal(ks[0], (N, D), dtype=jnp.float32)
    edge_index = jax.random.randint(ks[1], (2, E), 0, N, dtype=jnp.int32)
    batch = jnp.sort(jax.random.randint(ks[2], (N,), 0, G, dtype=jnp.int32))
    s = 1.0 / np.sqrt(H)
    W_emb = jax.random.uniform(ks[3], (D, H), jnp.float32, -s, s)
    b_emb = jnp.zeros((H,), jnp.float32)
    eps = jnp.zeros((L,), jnp.float32)
    W1 = jax.random.uniform(ks[4], (L, H, H), jnp.float32, -s, s)
    b1 = jnp.zeros((L, H), jnp.float32)
    W2 = jax.random.uniform(ks[5], (L, H, H), jnp.float32, -s, s)
    b2 = jnp.zeros((L, H), jnp.float32)
    bn_mlp_g = jnp.ones((L, H), jnp.float32)
    bn_mlp_b = jnp.zeros((L, H), jnp.float32)
    bn_g = jnp.ones((L, H), jnp.float32)
    bn_b = jnp.zeros((L, H), jnp.float32)
    Wp = jax.random.uniform(ks[6], (L + 1, H, C), jnp.float32, -s, s)
    bp = jnp.zeros((L + 1, C), jnp.float32)
    return {"x": x, "edge_index": edge_index, "batch": batch, "W_emb": W_emb, "b_emb": b_emb, "eps": eps, "W1": W1, "b1": b1, "W2": W2, "b2": b2, "bn_mlp_g": bn_mlp_g, "bn_mlp_b": bn_mlp_b, "bn_g": bn_g, "bn_b": bn_b, "Wp": Wp, "bp": bp}

def reference(x, edge_index, batch, W_emb, b_emb, eps, W1, b1, W2, b2, bn_mlp_g, bn_mlp_b, bn_g, bn_b, Wp, bp):
    src = edge_index[0]
    dst = edge_index[1]
    h = x @ W_emb + b_emb
    hidden = [h]
    for l in range(L):
        h_in = h
        agg = jax.ops.segment_sum(h[src], dst, num_segments=N)
        z = (1.0 + eps[l]) * h + agg
        z = z @ W1[l] + b1[l]
        z = _bn(z, bn_mlp_g[l], bn_mlp_b[l])
        z = jax.nn.relu(z)
        z = z @ W2[l] + b2[l]
        z = _bn(z, bn_g[l], bn_b[l])
        z = jax.nn.relu(z)
        h = h_in + z
        hidden.append(h)
    counts = jax.ops.segment_sum(jnp.ones((N,), jnp.float32), batch, num_segments=G)
    denom = jnp.maximum(counts, 1.0)[:, None]
    score = jnp.zeros((G, C), jnp.float32)
    for i in range(L + 1):
        pooled = jax.ops.segment_sum(hidden[i], batch, num_segments=G) / denom
        score = score + pooled @ Wp[i] + bp[i]
    return score

if __name__ == "__main__":
    import jax
    _d = setup_inputs()
    print(jax.jit(kernel)(*tuple(_d.values())))

</pallas_src>

<mosaic_0001>
#map = affine_map<(d0, d1) -> (0, 0)>
#map1 = affine_map<(d0, d1) -> (0, 0, 0, 0)>
#map2 = affine_map<(d0, d1) -> (0, 0, 0)>
module attributes {stable_mosaic.version = 14 : i64} {
  func.func @_agg_body(%arg0: i32, %arg1: i32, %arg2: memref<10000x128xf32, #tpu.memory_space<hbm>>, %arg3: memref<16x2x102x128xi32, #tpu.memory_space<hbm>>, %arg4: memref<16x2x102x128xi32, #tpu.memory_space<hbm>>, %arg5: memref<10112x128xf32, #tpu.memory_space<hbm>>, %arg6: memref<2x10112x128xf32, #tpu.memory_space<hbm>>, %arg7: memref<102x128xi32, #tpu.memory_space<vmem>>, %arg8: memref<102x128xi32, #tpu.memory_space<vmem>>, %arg9: memref<128x128xf32, #tpu.memory_space<vmem>>, %arg10: memref<10112x128xf32, #tpu.memory_space<vmem_shared>>, %arg11: memref<!tpu.dma_semaphore, #tpu.memory_space<semaphore_mem>>) attributes {dimension_semantics = [#tpu.dimension_semantics<core_parallel>, #tpu.dimension_semantics<subcore_parallel>], iteration_bounds = array<i64: 2, 16>, scalar_prefetch = 0 : i64, scratch_operands = 5 : i64, tpu.core_type = #tpu.core_type<sc_vector_subcore>, window_params = [{transform_indices = #map}, {transform_indices = #map1}, {transform_indices = #map1}, {transform_indices = #map}, {transform_indices = #map2}]} {
    %mul3A = arith.constant 632 : i32
    %mul3A_0 = arith.muli %arg1, %mul3A : i32
    %mul3A_1 = arith.constant 632 : i32
    %mul3A_2 = arith.muli %arg1, %mul3A_1 : i32
    "tpu.region"() ({
      %run_scoped3A = tpu.sem_alloc : memref<!tpu.dma_semaphore, #tpu.memory_space<semaphore_mem>>
      %dma_start3A = arith.constant 0 : i32
      %dma_start3A_25 = tpu.memref_slice %arg10[%mul3A_2, %dma_start3A] : memref<10112x128xf32, #tpu.memory_space<vmem_shared>> -> memref<632x128xf32, #tpu.memory_space<vmem_shared>>
      %dma_start3A_26 = arith.constant 0 : i32
      %dma_start3A_27 = tpu.memref_slice %arg5[%mul3A_0, %dma_start3A_26] : memref<10112x128xf32, #tpu.memory_space<hbm>> -> memref<632x128xf32, #tpu.memory_space<hbm>>
      tpu.enqueue_dma source(%dma_start3A_27 : memref<632x128xf32, #tpu.memory_space<hbm>>) target(%dma_start3A_25 : memref<632x128xf32, #tpu.memory_space<vmem_shared>>) target_semaphore(%run_scoped3A : memref<!tpu.dma_semaphore, #tpu.memory_space<semaphore_mem>>)
      %dma_wait3A = arith.constant 0 : i32
      %dma_wait3A_28 = tpu.memref_slice %arg10[%mul3A_2, %dma_wait3A] : memref<10112x128xf32, #tpu.memory_space<vmem_shared>> -> memref<632x128xf32, #tpu.memory_space<vmem_shared>>
      %dma_wait3A_29 = arith.constant 0 : i32
      %dma_wait3A_30 = tpu.memref_slice %arg5[%mul3A_0, %dma_wait3A_29] : memref<10112x128xf32, #tpu.memory_space<hbm>> -> memref<632x128xf32, #tpu.memory_space<hbm>>
      tpu.wait_dma2 semaphore(%run_scoped3A : memref<!tpu.dma_semaphore, #tpu.memory_space<semaphore_mem>>) src(%dma_wait3A_30 : memref<632x128xf32, #tpu.memory_space<hbm>>) dst(%dma_wait3A_28 : memref<632x128xf32, #tpu.memory_space<vmem_shared>>)
      tpu.yield
    }) : () -> ()
    "tpu.region"() ({
      %run_scoped3A = tpu.sem_alloc : memref<!tpu.dma_semaphore, #tpu.memory_space<semaphore_mem>>
      %dma_start3A = arith.constant 0 : i32
      %dma_start3A_25 = arith.constant 0 : i32
      %dma_start3A_26 = tpu.memref_slice %arg3[%arg1, %arg0, %dma_start3A, %dma_start3A_25] : memref<16x2x102x128xi32, #tpu.memory_space<hbm>> -> memref<1x1x102x128xi32, #tpu.memory_space<hbm>>
      %dma_start3A_27 = tpu.memref_squeeze %dma_start3A_26 : memref<1x1x102x128xi32, #tpu.memory_space<hbm>> -> memref<102x128xi32, #tpu.memory_space<hbm>>
      %dma_start3A_28 = arith.constant 0 : i32
      %dma_start3A_29 = arith.constant 0 : i32
      %dma_start3A_30 = tpu.memref_slice %arg3[%arg1, %arg0, %dma_start3A_28, %dma_start3A_29] : memref<16x2x102x128xi32, #tpu.memory_space<hbm>> -> memref<1x1x102x128xi32, #tpu.memory_space<hbm>>
      %dma_start3A_31 = tpu.memref_squeeze %dma_start3A_30 : memref<1x1x102x128xi32, #tpu.memory_space<hbm>> -> memref<102x128xi32, #tpu.memory_space<hbm>>
      tpu.enqueue_dma source(%dma_start3A_31 : memref<102x128xi32, #tpu.memory_space<hbm>>) target(%arg7 : memref<102x128xi32, #tpu.memory_space<vmem>>) target_semaphore(%run_scoped3A : memref<!tpu.dma_semaphore, #tpu.memory_space<semaphore_mem>>)
      %dma_wait3A = arith.constant 0 : i32
      %dma_wait3A_32 = arith.constant 0 : i32
      %dma_wait3A_33 = tpu.memref_slice %arg3[%arg1, %arg0, %dma_wait3A, %dma_wait3A_32] : memref<16x2x102x128xi32, #tpu.memory_space<hbm>> -> memref<1x1x102x128xi32, #tpu.memory_space<hbm>>
      %dma_wait3A_34 = tpu.memref_squeeze %dma_wait3A_33 : memref<1x1x102x128xi32, #tpu.memory_space<hbm>> -> memref<102x128xi32, #tpu.memory_space<hbm>>
      %dma_wait3A_35 = arith.constant 0 : i32
      %dma_wait3A_36 = arith.constant 0 : i32
      %dma_wait3A_37 = tpu.memref_slice %arg3[%arg1, %arg0, %dma_wait3A_35, %dma_wait3A_36] : memref<16x2x102x128xi32, #tpu.memory_space<hbm>> -> memref<1x1x102x128xi32, #tpu.memory_space<hbm>>
      %dma_wait3A_38 = tpu.memref_squeeze %dma_wait3A_37 : memref<1x1x102x128xi32, #tpu.memory_space<hbm>> -> memref<102x128xi32, #tpu.memory_space<hbm>>
      tpu.wait_dma2 semaphore(%run_scoped3A : memref<!tpu.dma_semaphore, #tpu.memory_space<semaphore_mem>>) src(%dma_wait3A_38 : memref<102x128xi32, #tpu.memory_space<hbm>>) dst(%arg7 : memref<102x128xi32, #tpu.memory_space<vmem>>)
      tpu.yield
    }) : () -> ()
    "tpu.region"() ({
      %run_scoped3A = tpu.sem_alloc : memref<!tpu.dma_semaphore, #tpu.memory_space<semaphore_mem>>
      %dma_start3A = arith.constant 0 : i32
      %dma_start3A_25 = arith.constant 0 : i32
      %dma_start3A_26 = tpu.memref_slice %arg4[%arg1, %arg0, %dma_start3A, %dma_start3A_25] : memref<16x2x102x128xi32, #tpu.memory_space<hbm>> -> memref<1x1x102x128xi32, #tpu.memory_space<hbm>>
      %dma_start3A_27 = tpu.memref_squeeze %dma_start3A_26 : memref<1x1x102x128xi32, #tpu.memory_space<hbm>> -> memref<102x128xi32, #tpu.memory_space<hbm>>
      %dma_start3A_28 = arith.constant 0 : i32
      %dma_start3A_29 = arith.constant 0 : i32
      %dma_start3A_30 = tpu.memref_slice %arg4[%arg1, %arg0, %dma_start3A_28, %dma_start3A_29] : memref<16x2x102x128xi32, #tpu.memory_space<hbm>> -> memref<1x1x102x128xi32, #tpu.memory_space<hbm>>
      %dma_start3A_31 = tpu.memref_squeeze %dma_start3A_30 : memref<1x1x102x128xi32, #tpu.memory_space<hbm>> -> memref<102x128xi32, #tpu.memory_space<hbm>>
      tpu.enqueue_dma source(%dma_start3A_31 : memref<102x128xi32, #tpu.memory_space<hbm>>) target(%arg8 : memref<102x128xi32, #tpu.memory_space<vmem>>) target_semaphore(%run_scoped3A : memref<!tpu.dma_semaphore, #tpu.memory_space<semaphore_mem>>)
      %dma_wait3A = arith.constant 0 : i32
      %dma_wait3A_32 = arith.constant 0 : i32
      %dma_wait3A_33 = tpu.memref_slice %arg4[%arg1, %arg0, %dma_wait3A, %dma_wait3A_32] : memref<16x2x102x128xi32, #tpu.memory_space<hbm>> -> memref<1x1x102x128xi32, #tpu.memory_space<hbm>>
      %dma_wait3A_34 = tpu.memref_squeeze %dma_wait3A_33 : memref<1x1x102x128xi32, #tpu.memory_space<hbm>> -> memref<102x128xi32, #tpu.memory_space<hbm>>
      %dma_wait3A_35 = arith.constant 0 : i32
      %dma_wait3A_36 = arith.constant 0 : i32
      %dma_wait3A_37 = tpu.memref_slice %arg4[%arg1, %arg0, %dma_wait3A_35, %dma_wait3A_36] : memref<16x2x102x128xi32, #tpu.memory_space<hbm>> -> memref<1x1x102x128xi32, #tpu.memory_space<hbm>>
      %dma_wait3A_38 = tpu.memref_squeeze %dma_wait3A_37 : memref<1x1x102x128xi32, #tpu.memory_space<hbm>> -> memref<102x128xi32, #tpu.memory_space<hbm>>
      tpu.wait_dma2 semaphore(%run_scoped3A : memref<!tpu.dma_semaphore, #tpu.memory_space<semaphore_mem>>) src(%dma_wait3A_38 : memref<102x128xi32, #tpu.memory_space<hbm>>) dst(%arg8 : memref<102x128xi32, #tpu.memory_space<vmem>>)
      tpu.yield
    }) : () -> ()
    %barrier3A = arith.constant 0 : index
    tpu.barrier barrier_id(%barrier3A)
    %eq3A = arith.constant 0 : i32
    %eq3A_3 = arith.cmpi eq, %arg0, %eq3A : i32
    %jit3A = arith.constant 102 : i32
    %jit3A_4 = arith.constant 55 : i32
    %select_n3A = arith.select %eq3A_3, %jit3A, %jit3A_4 : i32
    %sub3A = arith.constant 0 : i32
    %sub3A_5 = arith.subi %select_n3A, %sub3A : i32
    %sub3A_6 = arith.constant 1 : i32
    %sub3A_7 = arith.constant 1 : i32
    %sub3A_8 = arith.subi %sub3A_6, %sub3A_7 : i32
    %add3A = arith.addi %sub3A_5, %sub3A_8 : i32
    %div3A = arith.constant 1 : i32
    %div3A_9 = arith.divsi %add3A, %div3A : i32
    %while3A = arith.constant 1 : i32
    %while3A_10 = arith.constant 0 : i32
    %while3A_11 = arith.constant 0 : i32
    %while3A_12 = arith.subi %div3A_9, %while3A_11 : i32
    %while3A_13 = arith.addi %while3A_11, %while3A_12 : i32
    %while3A_14 = arith.constant 1 : i32
    %while3A_15 = arith.divsi %while3A_12, %while3A_14 : i32
    %while3A_16 = arith.muli %while3A_15, %while3A_14 : i32
    %while3A_17 = arith.addi %while3A_11, %while3A_16 : i32
    %while3A_18 = arith.constant 1 : i32
    scf.for %while3A_25 = %while3A_11 to %while3A_17 step %while3A_18  : i32 {
      %mul3A_26 = arith.muli %while3A_25, %while3A : i32
      %add3A_27 = arith.addi %while3A_10, %mul3A_26 : i32
      %dma_start3A = arith.constant 0 : i32
      %dma_start3A_28 = tpu.memref_slice %arg7[%add3A_27, %dma_start3A] : memref<102x128xi32, #tpu.memory_space<vmem>> -> memref<1x128xi32, #tpu.memory_space<vmem>>
      %dma_start3A_29 = tpu.memref_squeeze %dma_start3A_28 : memref<1x128xi32, #tpu.memory_space<vmem>> -> memref<128xi32, #tpu.memory_space<vmem>>
      %dma_start3A_30 = arith.constant 0 : i32
      %dma_start3A_31 = arith.constant 0 : i32
      %dma_start3A_32 = tpu.memref_slice %arg2[%dma_start3A_30, %dma_start3A_31] : memref<10000x128xf32, #tpu.memory_space<hbm>> -> memref<10000x128xf32, #tpu.memory_space<hbm>>
      tpu.enqueue_indirect_dma source(%dma_start3A_32 : memref<10000x128xf32, #tpu.memory_space<hbm>>) target(%arg9 : memref<128x128xf32, #tpu.memory_space<vmem>>) offsets(%dma_start3A_29 : memref<128xi32, #tpu.memory_space<vmem>>) semaphore(%arg11 : memref<!tpu.dma_semaphore, #tpu.memory_space<semaphore_mem>>)
      %dma_wait3A = arith.constant 0 : i32
      %dma_wait3A_33 = tpu.memref_slice %arg7[%add3A_27, %dma_wait3A] : memref<102x128xi32, #tpu.memory_space<vmem>> -> memref<1x128xi32, #tpu.memory_space<vmem>>
      %dma_wait3A_34 = tpu.memref_squeeze %dma_wait3A_33 : memref<1x128xi32, #tpu.memory_space<vmem>> -> memref<128xi32, #tpu.memory_space<vmem>>
      %dma_wait3A_35 = arith.constant 0 : i32
      %dma_wait3A_36 = arith.constant 0 : i32
      %dma_wait3A_37 = tpu.memref_slice %arg2[%dma_wait3A_35, %dma_wait3A_36] : memref<10000x128xf32, #tpu.memory_space<hbm>> -> memref<10000x128xf32, #tpu.memory_space<hbm>>
      tpu.wait_indirect_dma semaphore(%arg11 : memref<!tpu.dma_semaphore, #tpu.memory_space<semaphore_mem>>) src(%dma_wait3A_37 : memref<10000x128xf32, #tpu.memory_space<hbm>>) dst(%arg9 : memref<128x128xf32, #tpu.memory_space<vmem>>)
      "tpu.region"() ({
        %run_scoped3A = tpu.sem_alloc : memref<!tpu.dma_semaphore, #tpu.memory_space<semaphore_mem>>
        %dma_start3A_38 = arith.constant 0 : i32
        %dma_start3A_39 = tpu.memref_slice %arg8[%add3A_27, %dma_start3A_38] : memref<102x128xi32, #tpu.memory_space<vmem>> -> memref<1x128xi32, #tpu.memory_space<vmem>>
        %dma_start3A_40 = tpu.memref_squeeze %dma_start3A_39 : memref<1x128xi32, #tpu.memory_space<vmem>> -> memref<128xi32, #tpu.memory_space<vmem>>
        %dma_start3A_41 = arith.constant 0 : i32
        %dma_start3A_42 = arith.constant 0 : i32
        %dma_start3A_43 = tpu.memref_slice %arg10[%dma_start3A_41, %dma_start3A_42] : memref<10112x128xf32, #tpu.memory_space<vmem_shared>> -> memref<10112x128xf32, #tpu.memory_space<vmem_shared>>
        tpu.enqueue_indirect_dma source(%arg9 : memref<128x128xf32, #tpu.memory_space<vmem>>) target(%dma_start3A_43 : memref<10112x128xf32, #tpu.memory_space<vmem_shared>>) offsets(%dma_start3A_40 : memref<128xi32, #tpu.memory_space<vmem>>) semaphore(%run_scoped3A : memref<!tpu.dma_semaphore, #tpu.memory_space<semaphore_mem>>) {add = true}
        %dma_wait3A_44 = arith.constant 0 : i32
        %dma_wait3A_45 = tpu.memref_slice %arg8[%add3A_27, %dma_wait3A_44] : memref<102x128xi32, #tpu.memory_space<vmem>> -> memref<1x128xi32, #tpu.memory_space<vmem>>
        %dma_wait3A_46 = tpu.memref_squeeze %dma_wait3A_45 : memref<1x128xi32, #tpu.memory_space<vmem>> -> memref<128xi32, #tpu.memory_space<vmem>>
        %dma_wait3A_47 = arith.constant 0 : i32
        %dma_wait3A_48 = arith.constant 0 : i32
        %dma_wait3A_49 = tpu.memref_slice %arg10[%dma_wait3A_47, %dma_wait3A_48] : memref<10112x128xf32, #tpu.memory_space<vmem_shared>> -> memref<10112x128xf32, #tpu.memory_space<vmem_shared>>
        tpu.wait_indirect_dma semaphore(%run_scoped3A : memref<!tpu.dma_semaphore, #tpu.memory_space<semaphore_mem>>) src(%arg9 : memref<128x128xf32, #tpu.memory_space<vmem>>) dst(%dma_wait3A_49 : memref<10112x128xf32, #tpu.memory_space<vmem_shared>>)
        tpu.yield
      }) : () -> ()
    }
    %while3A_19 = arith.constant 1 : i32
    scf.for %while3A_25 = %while3A_17 to %while3A_13 step %while3A_19  : i32 {
      %mul3A_26 = arith.muli %while3A_25, %while3A : i32
      %add3A_27 = arith.addi %while3A_10, %mul3A_26 : i32
      %dma_start3A = arith.constant 0 : i32
      %dma_start3A_28 = tpu.memref_slice %arg7[%add3A_27, %dma_start3A] : memref<102x128xi32, #tpu.memory_space<vmem>> -> memref<1x128xi32, #tpu.memory_space<vmem>>
      %dma_start3A_29 = tpu.memref_squeeze %dma_start3A_28 : memref<1x128xi32, #tpu.memory_space<vmem>> -> memref<128xi32, #tpu.memory_space<vmem>>
      %dma_start3A_30 = arith.constant 0 : i32
      %dma_start3A_31 = arith.constant 0 : i32
      %dma_start3A_32 = tpu.memref_slice %arg2[%dma_start3A_30, %dma_start3A_31] : memref<10000x128xf32, #tpu.memory_space<hbm>> -> memref<10000x128xf32, #tpu.memory_space<hbm>>
      tpu.enqueue_indirect_dma source(%dma_start3A_32 : memref<10000x128xf32, #tpu.memory_space<hbm>>) target(%arg9 : memref<128x128xf32, #tpu.memory_space<vmem>>) offsets(%dma_start3A_29 : memref<128xi32, #tpu.memory_space<vmem>>) semaphore(%arg11 : memref<!tpu.dma_semaphore, #tpu.memory_space<semaphore_mem>>)
      %dma_wait3A = arith.constant 0 : i32
      %dma_wait3A_33 = tpu.memref_slice %arg7[%add3A_27, %dma_wait3A] : memref<102x128xi32, #tpu.memory_space<vmem>> -> memref<1x128xi32, #tpu.memory_space<vmem>>
      %dma_wait3A_34 = tpu.memref_squeeze %dma_wait3A_33 : memref<1x128xi32, #tpu.memory_space<vmem>> -> memref<128xi32, #tpu.memory_space<vmem>>
      %dma_wait3A_35 = arith.constant 0 : i32
      %dma_wait3A_36 = arith.constant 0 : i32
      %dma_wait3A_37 = tpu.memref_slice %arg2[%dma_wait3A_35, %dma_wait3A_36] : memref<10000x128xf32, #tpu.memory_space<hbm>> -> memref<10000x128xf32, #tpu.memory_space<hbm>>
      tpu.wait_indirect_dma semaphore(%arg11 : memref<!tpu.dma_semaphore, #tpu.memory_space<semaphore_mem>>) src(%dma_wait3A_37 : memref<10000x128xf32, #tpu.memory_space<hbm>>) dst(%arg9 : memref<128x128xf32, #tpu.memory_space<vmem>>)
      "tpu.region"() ({
        %run_scoped3A = tpu.sem_alloc : memref<!tpu.dma_semaphore, #tpu.memory_space<semaphore_mem>>
        %dma_start3A_38 = arith.constant 0 : i32
        %dma_start3A_39 = tpu.memref_slice %arg8[%add3A_27, %dma_start3A_38] : memref<102x128xi32, #tpu.memory_space<vmem>> -> memref<1x128xi32, #tpu.memory_space<vmem>>
        %dma_start3A_40 = tpu.memref_squeeze %dma_start3A_39 : memref<1x128xi32, #tpu.memory_space<vmem>> -> memref<128xi32, #tpu.memory_space<vmem>>
        %dma_start3A_41 = arith.constant 0 : i32
        %dma_start3A_42 = arith.constant 0 : i32
        %dma_start3A_43 = tpu.memref_slice %arg10[%dma_start3A_41, %dma_start3A_42] : memref<10112x128xf32, #tpu.memory_space<vmem_shared>> -> memref<10112x128xf32, #tpu.memory_space<vmem_shared>>
        tpu.enqueue_indirect_dma source(%arg9 : memref<128x128xf32, #tpu.memory_space<vmem>>) target(%dma_start3A_43 : memref<10112x128xf32, #tpu.memory_space<vmem_shared>>) offsets(%dma_start3A_40 : memref<128xi32, #tpu.memory_space<vmem>>) semaphore(%run_scoped3A : memref<!tpu.dma_semaphore, #tpu.memory_space<semaphore_mem>>) {add = true}
        %dma_wait3A_44 = arith.constant 0 : i32
        %dma_wait3A_45 = tpu.memref_slice %arg8[%add3A_27, %dma_wait3A_44] : memref<102x128xi32, #tpu.memory_space<vmem>> -> memref<1x128xi32, #tpu.memory_space<vmem>>
        %dma_wait3A_46 = tpu.memref_squeeze %dma_wait3A_45 : memref<1x128xi32, #tpu.memory_space<vmem>> -> memref<128xi32, #tpu.memory_space<vmem>>
        %dma_wait3A_47 = arith.constant 0 : i32
        %dma_wait3A_48 = arith.constant 0 : i32
        %dma_wait3A_49 = tpu.memref_slice %arg10[%dma_wait3A_47, %dma_wait3A_48] : memref<10112x128xf32, #tpu.memory_space<vmem_shared>> -> memref<10112x128xf32, #tpu.memory_space<vmem_shared>>
        tpu.wait_indirect_dma semaphore(%run_scoped3A : memref<!tpu.dma_semaphore, #tpu.memory_space<semaphore_mem>>) src(%arg9 : memref<128x128xf32, #tpu.memory_space<vmem>>) dst(%dma_wait3A_49 : memref<10112x128xf32, #tpu.memory_space<vmem_shared>>)
        tpu.yield
      }) : () -> ()
    }
    %barrier3A_20 = arith.constant 0 : index
    tpu.barrier barrier_id(%barrier3A_20)
    %mul3A_21 = arith.constant 632 : i32
    %mul3A_22 = arith.muli %arg1, %mul3A_21 : i32
    %mul3A_23 = arith.constant 632 : i32
    %mul3A_24 = arith.muli %arg1, %mul3A_23 : i32
    "tpu.region"() ({
      %run_scoped3A = tpu.sem_alloc : memref<!tpu.dma_semaphore, #tpu.memory_space<semaphore_mem>>
      %dma_start3A = arith.constant 0 : i32
      %dma_start3A_25 = tpu.memref_slice %arg6[%arg0, %mul3A_24, %dma_start3A] : memref<2x10112x128xf32, #tpu.memory_space<hbm>> -> memref<1x632x128xf32, #tpu.memory_space<hbm>>
      %dma_start3A_26 = tpu.memref_squeeze %dma_start3A_25 : memref<1x632x128xf32, #tpu.memory_space<hbm>> -> memref<632x128xf32, #tpu.memory_space<hbm>>
      %dma_start3A_27 = arith.constant 0 : i32
      %dma_start3A_28 = tpu.memref_slice %arg10[%mul3A_22, %dma_start3A_27] : memref<10112x128xf32, #tpu.memory_space<vmem_shared>> -> memref<632x128xf32, #tpu.memory_space<vmem_shared>>
      tpu.enqueue_dma source(%dma_start3A_28 : memref<632x128xf32, #tpu.memory_space<vmem_shared>>) target(%dma_start3A_26 : memref<632x128xf32, #tpu.memory_space<hbm>>) target_semaphore(%run_scoped3A : memref<!tpu.dma_semaphore, #tpu.memory_space<semaphore_mem>>)
      %dma_wait3A = arith.constant 0 : i32
      %dma_wait3A_29 = tpu.memref_slice %arg6[%arg0, %mul3A_24, %dma_wait3A] : memref<2x10112x128xf32, #tpu.memory_space<hbm>> -> memref<1x632x128xf32, #tpu.memory_space<hbm>>
      %dma_wait3A_30 = tpu.memref_squeeze %dma_wait3A_29 : memref<1x632x128xf32, #tpu.memory_space<hbm>> -> memref<632x128xf32, #tpu.memory_space<hbm>>
      %dma_wait3A_31 = arith.constant 0 : i32
      %dma_wait3A_32 = tpu.memref_slice %arg10[%mul3A_22, %dma_wait3A_31] : memref<10112x128xf32, #tpu.memory_space<vmem_shared>> -> memref<632x128xf32, #tpu.memory_space<vmem_shared>>
      tpu.wait_dma2 semaphore(%run_scoped3A : memref<!tpu.dma_semaphore, #tpu.memory_space<semaphore_mem>>) src(%dma_wait3A_32 : memref<632x128xf32, #tpu.memory_space<vmem_shared>>) dst(%dma_wait3A_30 : memref<632x128xf32, #tpu.memory_space<hbm>>)
      tpu.yield
    }) : () -> ()
    return
  }
}

#map = affine_map<(d0, d1) -> (0, 0)>
#map1 = affine_map<(d0, d1) -> (0, 0, 0, 0)>
#map2 = affine_map<(d0, d1) -> (0, 0, 0)>
module attributes {stable_mosaic.version = 14 : i64} {
  func.func @_agg_body(%arg0: i32, %arg1: i32, %arg2: memref<10000x128xf32, #tpu.memory_space<hbm>>, %arg3: memref<16x2x102x128xi32, #tpu.memory_space<hbm>>, %arg4: memref<16x2x102x128xi32, #tpu.memory_space<hbm>>, %arg5: memref<10112x128xf32, #tpu.memory_space<hbm>>, %arg6: memref<2x10112x128xf32, #tpu.memory_space<hbm>>, %arg7: memref<102x128xi32, #tpu.memory_space<vmem>>, %arg8: memref<102x128xi32, #tpu.memory_space<vmem>>, %arg9: memref<128x128xf32, #tpu.memory_space<vmem>>, %arg10: memref<10112x128xf32, #tpu.memory_space<vmem_shared>>, %arg11: memref<!tpu.dma_semaphore, #tpu.memory_space<semaphore_mem>>) attributes {dimension_semantics = [#tpu.dimension_semantics<core_parallel>, #tpu.dimension_semantics<subcore_parallel>], iteration_bounds = array<i64: 2, 16>, scalar_prefetch = 0 : i64, scratch_operands = 5 : i64, tpu.core_type = #tpu.core_type<sc_vector_subcore>, window_params = [{transform_indices = #map}, {transform_indices = #map1}, {transform_indices = #map1}, {transform_indices = #map}, {transform_indices = #map2}]} {
    %mul3A = arith.constant 632 : i32
    %mul3A_0 = arith.muli %arg1, %mul3A : i32
    %mul3A_1 = arith.constant 632 : i32
    %mul3A_2 = arith.muli %arg1, %mul3A_1 : i32
    "tpu.region"() ({
      %run_scoped3A = tpu.sem_alloc : memref<!tpu.dma_semaphore, #tpu.memory_space<semaphore_mem>>
      %dma_start3A = arith.constant 0 : i32
      %dma_start3A_25 = tpu.memref_slice %arg10[%mul3A_2, %dma_start3A] : memref<10112x128xf32, #tpu.memory_space<vmem_shared>> -> memref<632x128xf32, #tpu.memory_space<vmem_shared>>
      %dma_start3A_26 = arith.constant 0 : i32
      %dma_start3A_27 = tpu.memref_slice %arg5[%mul3A_0, %dma_start3A_26] : memref<10112x128xf32, #tpu.memory_space<hbm>> -> memref<632x128xf32, #tpu.memory_space<hbm>>
      tpu.enqueue_dma source(%dma_start3A_27 : memref<632x128xf32, #tpu.memory_space<hbm>>) target(%dma_start3A_25 : memref<632x128xf32, #tpu.memory_space<vmem_shared>>) target_semaphore(%run_scoped3A : memref<!tpu.dma_semaphore, #tpu.memory_space<semaphore_mem>>)
      %dma_wait3A = arith.constant 0 : i32
      %dma_wait3A_28 = tpu.memref_slice %arg10[%mul3A_2, %dma_wait3A] : memref<10112x128xf32, #tpu.memory_space<vmem_shared>> -> memref<632x128xf32, #tpu.memory_space<vmem_shared>>
      %dma_wait3A_29 = arith.constant 0 : i32
      %dma_wait3A_30 = tpu.memref_slice %arg5[%mul3A_0, %dma_wait3A_29] : memref<10112x128xf32, #tpu.memory_space<hbm>> -> memref<632x128xf32, #tpu.memory_space<hbm>>
      tpu.wait_dma2 semaphore(%run_scoped3A : memref<!tpu.dma_semaphore, #tpu.memory_space<semaphore_mem>>) src(%dma_wait3A_30 : memref<632x128xf32, #tpu.memory_space<hbm>>) dst(%dma_wait3A_28 : memref<632x128xf32, #tpu.memory_space<vmem_shared>>)
      tpu.yield
    }) : () -> ()
    "tpu.region"() ({
      %run_scoped3A = tpu.sem_alloc : memref<!tpu.dma_semaphore, #tpu.memory_space<semaphore_mem>>
      %dma_start3A = arith.constant 0 : i32
      %dma_start3A_25 = arith.constant 0 : i32
      %dma_start3A_26 = tpu.memref_slice %arg3[%arg1, %arg0, %dma_start3A, %dma_start3A_25] : memref<16x2x102x128xi32, #tpu.memory_space<hbm>> -> memref<1x1x102x128xi32, #tpu.memory_space<hbm>>
      %dma_start3A_27 = tpu.memref_squeeze %dma_start3A_26 : memref<1x1x102x128xi32, #tpu.memory_space<hbm>> -> memref<102x128xi32, #tpu.memory_space<hbm>>
      %dma_start3A_28 = arith.constant 0 : i32
      %dma_start3A_29 = arith.constant 0 : i32
      %dma_start3A_30 = tpu.memref_slice %arg3[%arg1, %arg0, %dma_start3A_28, %dma_start3A_29] : memref<16x2x102x128xi32, #tpu.memory_space<hbm>> -> memref<1x1x102x128xi32, #tpu.memory_space<hbm>>
      %dma_start3A_31 = tpu.memref_squeeze %dma_start3A_30 : memref<1x1x102x128xi32, #tpu.memory_space<hbm>> -> memref<102x128xi32, #tpu.memory_space<hbm>>
      tpu.enqueue_dma source(%dma_start3A_31 : memref<102x128xi32, #tpu.memory_space<hbm>>) target(%arg7 : memref<102x128xi32, #tpu.memory_space<vmem>>) target_semaphore(%run_scoped3A : memref<!tpu.dma_semaphore, #tpu.memory_space<semaphore_mem>>)
      %dma_wait3A = arith.constant 0 : i32
      %dma_wait3A_32 = arith.constant 0 : i32
      %dma_wait3A_33 = tpu.memref_slice %arg3[%arg1, %arg0, %dma_wait3A, %dma_wait3A_32] : memref<16x2x102x128xi32, #tpu.memory_space<hbm>> -> memref<1x1x102x128xi32, #tpu.memory_space<hbm>>
      %dma_wait3A_34 = tpu.memref_squeeze %dma_wait3A_33 : memref<1x1x102x128xi32, #tpu.memory_space<hbm>> -> memref<102x128xi32, #tpu.memory_space<hbm>>
      %dma_wait3A_35 = arith.constant 0 : i32
      %dma_wait3A_36 = arith.constant 0 : i32
      %dma_wait3A_37 = tpu.memref_slice %arg3[%arg1, %arg0, %dma_wait3A_35, %dma_wait3A_36] : memref<16x2x102x128xi32, #tpu.memory_space<hbm>> -> memref<1x1x102x128xi32, #tpu.memory_space<hbm>>
      %dma_wait3A_38 = tpu.memref_squeeze %dma_wait3A_37 : memref<1x1x102x128xi32, #tpu.memory_space<hbm>> -> memref<102x128xi32, #tpu.memory_space<hbm>>
      tpu.wait_dma2 semaphore(%run_scoped3A : memref<!tpu.dma_semaphore, #tpu.memory_space<semaphore_mem>>) src(%dma_wait3A_38 : memref<102x128xi32, #tpu.memory_space<hbm>>) dst(%arg7 : memref<102x128xi32, #tpu.memory_space<vmem>>)
      tpu.yield
    }) : () -> ()
    "tpu.region"() ({
      %run_scoped3A = tpu.sem_alloc : memref<!tpu.dma_semaphore, #tpu.memory_space<semaphore_mem>>
      %dma_start3A = arith.constant 0 : i32
      %dma_start3A_25 = arith.constant 0 : i32
      %dma_start3A_26 = tpu.memref_slice %arg4[%arg1, %arg0, %dma_start3A, %dma_start3A_25] : memref<16x2x102x128xi32, #tpu.memory_space<hbm>> -> memref<1x1x102x128xi32, #tpu.memory_space<hbm>>
      %dma_start3A_27 = tpu.memref_squeeze %dma_start3A_26 : memref<1x1x102x128xi32, #tpu.memory_space<hbm>> -> memref<102x128xi32, #tpu.memory_space<hbm>>
      %dma_start3A_28 = arith.constant 0 : i32
      %dma_start3A_29 = arith.constant 0 : i32
      %dma_start3A_30 = tpu.memref_slice %arg4[%arg1, %arg0, %dma_start3A_28, %dma_start3A_29] : memref<16x2x102x128xi32, #tpu.memory_space<hbm>> -> memref<1x1x102x128xi32, #tpu.memory_space<hbm>>
      %dma_start3A_31 = tpu.memref_squeeze %dma_start3A_30 : memref<1x1x102x128xi32, #tpu.memory_space<hbm>> -> memref<102x128xi32, #tpu.memory_space<hbm>>
      tpu.enqueue_dma source(%dma_start3A_31 : memref<102x128xi32, #tpu.memory_space<hbm>>) target(%arg8 : memref<102x128xi32, #tpu.memory_space<vmem>>) target_semaphore(%run_scoped3A : memref<!tpu.dma_semaphore, #tpu.memory_space<semaphore_mem>>)
      %dma_wait3A = arith.constant 0 : i32
      %dma_wait3A_32 = arith.constant 0 : i32
      %dma_wait3A_33 = tpu.memref_slice %arg4[%arg1, %arg0, %dma_wait3A, %dma_wait3A_32] : memref<16x2x102x128xi32, #tpu.memory_space<hbm>> -> memref<1x1x102x128xi32, #tpu.memory_space<hbm>>
      %dma_wait3A_34 = tpu.memref_squeeze %dma_wait3A_33 : memref<1x1x102x128xi32, #tpu.memory_space<hbm>> -> memref<102x128xi32, #tpu.memory_space<hbm>>
      %dma_wait3A_35 = arith.constant 0 : i32
      %dma_wait3A_36 = arith.constant 0 : i32
      %dma_wait3A_37 = tpu.memref_slice %arg4[%arg1, %arg0, %dma_wait3A_35, %dma_wait3A_36] : memref<16x2x102x128xi32, #tpu.memory_space<hbm>> -> memref<1x1x102x128xi32, #tpu.memory_space<hbm>>
      %dma_wait3A_38 = tpu.memref_squeeze %dma_wait3A_37 : memref<1x1x102x128xi32, #tpu.memory_space<hbm>> -> memref<102x128xi32, #tpu.memory_space<hbm>>
      tpu.wait_dma2 semaphore(%run_scoped3A : memref<!tpu.dma_semaphore, #tpu.memory_space<semaphore_mem>>) src(%dma_wait3A_38 : memref<102x128xi32, #tpu.memory_space<hbm>>) dst(%arg8 : memref<102x128xi32, #tpu.memory_space<vmem>>)
      tpu.yield
    }) : () -> ()
    %barrier3A = arith.constant 0 : index
    tpu.barrier barrier_id(%barrier3A)
    %eq3A = arith.constant 0 : i32
    %eq3A_3 = arith.cmpi eq, %arg0, %eq3A : i32
    %jit3A = arith.constant 102 : i32
    %jit3A_4 = arith.constant 55 : i32
    %select_n3A = arith.select %eq3A_3, %jit3A, %jit3A_4 : i32
    %sub3A = arith.constant 0 : i32
    %sub3A_5 = arith.subi %select_n3A, %sub3A : i32
    %sub3A_6 = arith.constant 1 : i32
    %sub3A_7 = arith.constant 1 : i32
    %sub3A_8 = arith.subi %sub3A_6, %sub3A_7 : i32
    %add3A = arith.addi %sub3A_5, %sub3A_8 : i32
    %div3A = arith.constant 1 : i32
    %div3A_9 = arith.divsi %add3A, %div3A : i32
    %while3A = arith.constant 1 : i32
    %while3A_10 = arith.constant 0 : i32
    %while3A_11 = arith.constant 0 : i32
    %while3A_12 = arith.subi %div3A_9, %while3A_11 : i32
    %while3A_13 = arith.addi %while3A_11, %while3A_12 : i32
    %while3A_14 = arith.constant 1 : i32
    %while3A_15 = arith.divsi %while3A_12, %while3A_14 : i32
    %while3A_16 = arith.muli %while3A_15, %while3A_14 : i32
    %while3A_17 = arith.addi %while3A_11, %while3A_16 : i32
    %while3A_18 = arith.constant 1 : i32
    scf.for %while3A_25 = %while3A_11 to %while3A_17 step %while3A_18  : i32 {
      %mul3A_26 = arith.muli %while3A_25, %while3A : i32
      %add3A_27 = arith.addi %while3A_10, %mul3A_26 : i32
      %dma_start3A = arith.constant 0 : i32
      %dma_start3A_28 = tpu.memref_slice %arg7[%add3A_27, %dma_start3A] : memref<102x128xi32, #tpu.memory_space<vmem>> -> memref<1x128xi32, #tpu.memory_space<vmem>>
      %dma_start3A_29 = tpu.memref_squeeze %dma_start3A_28 : memref<1x128xi32, #tpu.memory_space<vmem>> -> memref<128xi32, #tpu.memory_space<vmem>>
      %dma_start3A_30 = arith.constant 0 : i32
      %dma_start3A_31 = arith.constant 0 : i32
      %dma_start3A_32 = tpu.memref_slice %arg2[%dma_start3A_30, %dma_start3A_31] : memref<10000x128xf32, #tpu.memory_space<hbm>> -> memref<10000x128xf32, #tpu.memory_space<hbm>>
      tpu.enqueue_indirect_dma source(%dma_start3A_32 : memref<10000x128xf32, #tpu.memory_space<hbm>>) target(%arg9 : memref<128x128xf32, #tpu.memory_space<vmem>>) offsets(%dma_start3A_29 : memref<128xi32, #tpu.memory_space<vmem>>) semaphore(%arg11 : memref<!tpu.dma_semaphore, #tpu.memory_space<semaphore_mem>>)
      %dma_wait3A = arith.constant 0 : i32
      %dma_wait3A_33 = tpu.memref_slice %arg7[%add3A_27, %dma_wait3A] : memref<102x128xi32, #tpu.memory_space<vmem>> -> memref<1x128xi32, #tpu.memory_space<vmem>>
      %dma_wait3A_34 = tpu.memref_squeeze %dma_wait3A_33 : memref<1x128xi32, #tpu.memory_space<vmem>> -> memref<128xi32, #tpu.memory_space<vmem>>
      %dma_wait3A_35 = arith.constant 0 : i32
      %dma_wait3A_36 = arith.constant 0 : i32
      %dma_wait3A_37 = tpu.memref_slice %arg2[%dma_wait3A_35, %dma_wait3A_36] : memref<10000x128xf32, #tpu.memory_space<hbm>> -> memref<10000x128xf32, #tpu.memory_space<hbm>>
      tpu.wait_indirect_dma semaphore(%arg11 : memref<!tpu.dma_semaphore, #tpu.memory_space<semaphore_mem>>) src(%dma_wait3A_37 : memref<10000x128xf32, #tpu.memory_space<hbm>>) dst(%arg9 : memref<128x128xf32, #tpu.memory_space<vmem>>)
      "tpu.region"() ({
        %run_scoped3A = tpu.sem_alloc : memref<!tpu.dma_semaphore, #tpu.memory_space<semaphore_mem>>
        %dma_start3A_38 = arith.constant 0 : i32
        %dma_start3A_39 = tpu.memref_slice %arg8[%add3A_27, %dma_start3A_38] : memref<102x128xi32, #tpu.memory_space<vmem>> -> memref<1x128xi32, #tpu.memory_space<vmem>>
        %dma_start3A_40 = tpu.memref_squeeze %dma_start3A_39 : memref<1x128xi32, #tpu.memory_space<vmem>> -> memref<128xi32, #tpu.memory_space<vmem>>
        %dma_start3A_41 = arith.constant 0 : i32
        %dma_start3A_42 = arith.constant 0 : i32
        %dma_start3A_43 = tpu.memref_slice %arg10[%dma_start3A_41, %dma_start3A_42] : memref<10112x128xf32, #tpu.memory_space<vmem_shared>> -> memref<10112x128xf32, #tpu.memory_space<vmem_shared>>
        tpu.enqueue_indirect_dma source(%arg9 : memref<128x128xf32, #tpu.memory_space<vmem>>) target(%dma_start3A_43 : memref<10112x128xf32, #tpu.memory_space<vmem_shared>>) offsets(%dma_start3A_40 : memref<128xi32, #tpu.memory_space<vmem>>) semaphore(%run_scoped3A : memref<!tpu.dma_semaphore, #tpu.memory_space<semaphore_mem>>) {add = true}
        %dma_wait3A_44 = arith.constant 0 : i32
        %dma_wait3A_45 = tpu.memref_slice %arg8[%add3A_27, %dma_wait3A_44] : memref<102x128xi32, #tpu.memory_space<vmem>> -> memref<1x128xi32, #tpu.memory_space<vmem>>
        %dma_wait3A_46 = tpu.memref_squeeze %dma_wait3A_45 : memref<1x128xi32, #tpu.memory_space<vmem>> -> memref<128xi32, #tpu.memory_space<vmem>>
        %dma_wait3A_47 = arith.constant 0 : i32
        %dma_wait3A_48 = arith.constant 0 : i32
        %dma_wait3A_49 = tpu.memref_slice %arg10[%dma_wait3A_47, %dma_wait3A_48] : memref<10112x128xf32, #tpu.memory_space<vmem_shared>> -> memref<10112x128xf32, #tpu.memory_space<vmem_shared>>
        tpu.wait_indirect_dma semaphore(%run_scoped3A : memref<!tpu.dma_semaphore, #tpu.memory_space<semaphore_mem>>) src(%arg9 : memref<128x128xf32, #tpu.memory_space<vmem>>) dst(%dma_wait3A_49 : memref<10112x128xf32, #tpu.memory_space<vmem_shared>>)
        tpu.yield
      }) : () -> ()
    }
    %while3A_19 = arith.constant 1 : i32
    scf.for %while3A_25 = %while3A_17 to %while3A_13 step %while3A_19  : i32 {
      %mul3A_26 = arith.muli %while3A_25, %while3A : i32
      %add3A_27 = arith.addi %while3A_10, %mul3A_26 : i32
      %dma_start3A = arith.constant 0 : i32
      %dma_start3A_28 = tpu.memref_slice %arg7[%add3A_27, %dma_start3A] : memref<102x128xi32, #tpu.memory_space<vmem>> -> memref<1x128xi32, #tpu.memory_space<vmem>>
      %dma_start3A_29 = tpu.memref_squeeze %dma_start3A_28 : memref<1x128xi32, #tpu.memory_space<vmem>> -> memref<128xi32, #tpu.memory_space<vmem>>
      %dma_start3A_30 = arith.constant 0 : i32
      %dma_start3A_31 = arith.constant 0 : i32
      %dma_start3A_32 = tpu.memref_slice %arg2[%dma_start3A_30, %dma_start3A_31] : memref<10000x128xf32, #tpu.memory_space<hbm>> -> memref<10000x128xf32, #tpu.memory_space<hbm>>
      tpu.enqueue_indirect_dma source(%dma_start3A_32 : memref<10000x128xf32, #tpu.memory_space<hbm>>) target(%arg9 : memref<128x128xf32, #tpu.memory_space<vmem>>) offsets(%dma_start3A_29 : memref<128xi32, #tpu.memory_space<vmem>>) semaphore(%arg11 : memref<!tpu.dma_semaphore, #tpu.memory_space<semaphore_mem>>)
      %dma_wait3A = arith.constant 0 : i32
      %dma_wait3A_33 = tpu.memref_slice %arg7[%add3A_27, %dma_wait3A] : memref<102x128xi32, #tpu.memory_space<vmem>> -> memref<1x128xi32, #tpu.memory_space<vmem>>
      %dma_wait3A_34 = tpu.memref_squeeze %dma_wait3A_33 : memref<1x128xi32, #tpu.memory_space<vmem>> -> memref<128xi32, #tpu.memory_space<vmem>>
      %dma_wait3A_35 = arith.constant 0 : i32
      %dma_wait3A_36 = arith.constant 0 : i32
      %dma_wait3A_37 = tpu.memref_slice %arg2[%dma_wait3A_35, %dma_wait3A_36] : memref<10000x128xf32, #tpu.memory_space<hbm>> -> memref<10000x128xf32, #tpu.memory_space<hbm>>
      tpu.wait_indirect_dma semaphore(%arg11 : memref<!tpu.dma_semaphore, #tpu.memory_space<semaphore_mem>>) src(%dma_wait3A_37 : memref<10000x128xf32, #tpu.memory_space<hbm>>) dst(%arg9 : memref<128x128xf32, #tpu.memory_space<vmem>>)
      "tpu.region"() ({
        %run_scoped3A = tpu.sem_alloc : memref<!tpu.dma_semaphore, #tpu.memory_space<semaphore_mem>>
        %dma_start3A_38 = arith.constant 0 : i32
        %dma_start3A_39 = tpu.memref_slice %arg8[%add3A_27, %dma_start3A_38] : memref<102x128xi32, #tpu.memory_space<vmem>> -> memref<1x128xi32, #tpu.memory_space<vmem>>
        %dma_start3A_40 = tpu.memref_squeeze %dma_start3A_39 : memref<1x128xi32, #tpu.memory_space<vmem>> -> memref<128xi32, #tpu.memory_space<vmem>>
        %dma_start3A_41 = arith.constant 0 : i32
        %dma_start3A_42 = arith.constant 0 : i32
        %dma_start3A_43 = tpu.memref_slice %arg10[%dma_start3A_41, %dma_start3A_42] : memref<10112x128xf32, #tpu.memory_space<vmem_shared>> -> memref<10112x128xf32, #tpu.memory_space<vmem_shared>>
        tpu.enqueue_indirect_dma source(%arg9 : memref<128x128xf32, #tpu.memory_space<vmem>>) target(%dma_start3A_43 : memref<10112x128xf32, #tpu.memory_space<vmem_shared>>) offsets(%dma_start3A_40 : memref<128xi32, #tpu.memory_space<vmem>>) semaphore(%run_scoped3A : memref<!tpu.dma_semaphore, #tpu.memory_space<semaphore_mem>>) {add = true}
        %dma_wait3A_44 = arith.constant 0 : i32
        %dma_wait3A_45 = tpu.memref_slice %arg8[%add3A_27, %dma_wait3A_44] : memref<102x128xi32, #tpu.memory_space<vmem>> -> memref<1x128xi32, #tpu.memory_space<vmem>>
        %dma_wait3A_46 = tpu.memref_squeeze %dma_wait3A_45 : memref<1x128xi32, #tpu.memory_space<vmem>> -> memref<128xi32, #tpu.memory_space<vmem>>
        %dma_wait3A_47 = arith.constant 0 : i32
        %dma_wait3A_48 = arith.constant 0 : i32
        %dma_wait3A_49 = tpu.memref_slice %arg10[%dma_wait3A_47, %dma_wait3A_48] : memref<10112x128xf32, #tpu.memory_space<vmem_shared>> -> memref<10112x128xf32, #tpu.memory_space<vmem_shared>>
        tpu.wait_indirect_dma semaphore(%run_scoped3A : memref<!tpu.dma_semaphore, #tpu.memory_space<semaphore_mem>>) src(%arg9 : memref<128x128xf32, #tpu.memory_space<vmem>>) dst(%dma_wait3A_49 : memref<10112x128xf32, #tpu.memory_space<vmem_shared>>)
        tpu.yield
      }) : () -> ()
    }
    %barrier3A_20 = arith.constant 0 : index
    tpu.barrier barrier_id(%barrier3A_20)
    %mul3A_21 = arith.constant 632 : i32
    %mul3A_22 = arith.muli %arg1, %mul3A_21 : i32
    %mul3A_23 = arith.constant 632 : i32
    %mul3A_24 = arith.muli %arg1, %mul3A_23 : i32
    "tpu.region"() ({
      %run_scoped3A = tpu.sem_alloc : memref<!tpu.dma_semaphore, #tpu.memory_space<semaphore_mem>>
      %dma_start3A = arith.constant 0 : i32
      %dma_start3A_25 = tpu.memref_slice %arg6[%arg0, %mul3A_24, %dma_start3A] : memref<2x10112x128xf32, #tpu.memory_space<hbm>> -> memref<1x632x128xf32, #tpu.memory_space<hbm>>
      %dma_start3A_26 = tpu.memref_squeeze %dma_start3A_25 : memref<1x632x128xf32, #tpu.memory_space<hbm>> -> memref<632x128xf32, #tpu.memory_space<hbm>>
      %dma_start3A_27 = arith.constant 0 : i32
      %dma_start3A_28 = tpu.memref_slice %arg10[%mul3A_22, %dma_start3A_27] : memref<10112x128xf32, #tpu.memory_space<vmem_shared>> -> memref<632x128xf32, #tpu.memory_space<vmem_shared>>
      tpu.enqueue_dma source(%dma_start3A_28 : memref<632x128xf32, #tpu.memory_space<vmem_shared>>) target(%dma_start3A_26 : memref<632x128xf32, #tpu.memory_space<hbm>>) target_semaphore(%run_scoped3A : memref<!tpu.dma_semaphore, #tpu.memory_space<semaphore_mem>>)
      %dma_wait3A = arith.constant 0 : i32
      %dma_wait3A_29 = tpu.memref_slice %arg6[%arg0, %mul3A_24, %dma_wait3A] : memref<2x10112x128xf32, #tpu.memory_space<hbm>> -> memref<1x632x128xf32, #tpu.memory_space<hbm>>
      %dma_wait3A_30 = tpu.memref_squeeze %dma_wait3A_29 : memref<1x632x128xf32, #tpu.memory_space<hbm>> -> memref<632x128xf32, #tpu.memory_space<hbm>>
      %dma_wait3A_31 = arith.constant 0 : i32
      %dma_wait3A_32 = tpu.memref_slice %arg10[%mul3A_22, %dma_wait3A_31] : memref<10112x128xf32, #tpu.memory_space<vmem_shared>> -> memref<632x128xf32, #tpu.memory_space<vmem_shared>>
      tpu.wait_dma2 semaphore(%run_scoped3A : memref<!tpu.dma_semaphore, #tpu.memory_space<semaphore_mem>>) src(%dma_wait3A_32 : memref<632x128xf32, #tpu.memory_space<vmem_shared>>) dst(%dma_wait3A_30 : memref<632x128xf32, #tpu.memory_space<hbm>>)
      tpu.yield
    }) : () -> ()
    return
  }
}

#map = affine_map<(d0, d1) -> (0, 0)>
#map1 = affine_map<(d0, d1) -> (0, 0, 0, 0)>
#map2 = affine_map<(d0, d1) -> (0, 0, 0)>
module attributes {stable_mosaic.version = 14 : i64} {
  func.func @_agg_body(%arg0: i32, %arg1: i32, %arg2: memref<10000x128xf32, #tpu.memory_space<hbm>>, %arg3: memref<16x2x102x128xi32, #tpu.memory_space<hbm>>, %arg4: memref<16x2x102x128xi32, #tpu.memory_space<hbm>>, %arg5: memref<10112x128xf32, #tpu.memory_space<hbm>>, %arg6: memref<2x10112x128xf32, #tpu.memory_space<hbm>>, %arg7: memref<102x128xi32, #tpu.memory_space<vmem>>, %arg8: memref<102x128xi32, #tpu.memory_space<vmem>>, %arg9: memref<128x128xf32, #tpu.memory_space<vmem>>, %arg10: memref<10112x128xf32, #tpu.memory_space<vmem_shared>>, %arg11: memref<!tpu.dma_semaphore, #tpu.memory_space<semaphore_mem>>) attributes {dimension_semantics = [#tpu.dimension_semantics<core_parallel>, #tpu.dimension_semantics<subcore_parallel>], iteration_bounds = array<i64: 2, 16>, scalar_prefetch = 0 : i64, scratch_operands = 5 : i64, tpu.core_type = #tpu.core_type<sc_vector_subcore>, window_params = [{transform_indices = #map}, {transform_indices = #map1}, {transform_indices = #map1}, {transform_indices = #map}, {transform_indices = #map2}]} {
    %mul3A = arith.constant 632 : i32
    %mul3A_0 = arith.muli %arg1, %mul3A : i32
    %mul3A_1 = arith.constant 632 : i32
    %mul3A_2 = arith.muli %arg1, %mul3A_1 : i32
    "tpu.region"() ({
      %run_scoped3A = tpu.sem_alloc : memref<!tpu.dma_semaphore, #tpu.memory_space<semaphore_mem>>
      %dma_start3A = arith.constant 0 : i32
      %dma_start3A_25 = tpu.memref_slice %arg10[%mul3A_2, %dma_start3A] : memref<10112x128xf32, #tpu.memory_space<vmem_shared>> -> memref<632x128xf32, #tpu.memory_space<vmem_shared>>
      %dma_start3A_26 = arith.constant 0 : i32
      %dma_start3A_27 = tpu.memref_slice %arg5[%mul3A_0, %dma_start3A_26] : memref<10112x128xf32, #tpu.memory_space<hbm>> -> memref<632x128xf32, #tpu.memory_space<hbm>>
      tpu.enqueue_dma source(%dma_start3A_27 : memref<632x128xf32, #tpu.memory_space<hbm>>) target(%dma_start3A_25 : memref<632x128xf32, #tpu.memory_space<vmem_shared>>) target_semaphore(%run_scoped3A : memref<!tpu.dma_semaphore, #tpu.memory_space<semaphore_mem>>)
      %dma_wait3A = arith.constant 0 : i32
      %dma_wait3A_28 = tpu.memref_slice %arg10[%mul3A_2, %dma_wait3A] : memref<10112x128xf32, #tpu.memory_space<vmem_shared>> -> memref<632x128xf32, #tpu.memory_space<vmem_shared>>
      %dma_wait3A_29 = arith.constant 0 : i32
      %dma_wait3A_30 = tpu.memref_slice %arg5[%mul3A_0, %dma_wait3A_29] : memref<10112x128xf32, #tpu.memory_space<hbm>> -> memref<632x128xf32, #tpu.memory_space<hbm>>
      tpu.wait_dma2 semaphore(%run_scoped3A : memref<!tpu.dma_semaphore, #tpu.memory_space<semaphore_mem>>) src(%dma_wait3A_30 : memref<632x128xf32, #tpu.memory_space<hbm>>) dst(%dma_wait3A_28 : memref<632x128xf32, #tpu.memory_space<vmem_shared>>)
      tpu.yield
    }) : () -> ()
    "tpu.region"() ({
      %run_scoped3A = tpu.sem_alloc : memref<!tpu.dma_semaphore, #tpu.memory_space<semaphore_mem>>
      %dma_start3A = arith.constant 0 : i32
      %dma_start3A_25 = arith.constant 0 : i32
      %dma_start3A_26 = tpu.memref_slice %arg3[%arg1, %arg0, %dma_start3A, %dma_start3A_25] : memref<16x2x102x128xi32, #tpu.memory_space<hbm>> -> memref<1x1x102x128xi32, #tpu.memory_space<hbm>>
      %dma_start3A_27 = tpu.memref_squeeze %dma_start3A_26 : memref<1x1x102x128xi32, #tpu.memory_space<hbm>> -> memref<102x128xi32, #tpu.memory_space<hbm>>
      %dma_start3A_28 = arith.constant 0 : i32
      %dma_start3A_29 = arith.constant 0 : i32
      %dma_start3A_30 = tpu.memref_slice %arg3[%arg1, %arg0, %dma_start3A_28, %dma_start3A_29] : memref<16x2x102x128xi32, #tpu.memory_space<hbm>> -> memref<1x1x102x128xi32, #tpu.memory_space<hbm>>
      %dma_start3A_31 = tpu.memref_squeeze %dma_start3A_30 : memref<1x1x102x128xi32, #tpu.memory_space<hbm>> -> memref<102x128xi32, #tpu.memory_space<hbm>>
      tpu.enqueue_dma source(%dma_start3A_31 : memref<102x128xi32, #tpu.memory_space<hbm>>) target(%arg7 : memref<102x128xi32, #tpu.memory_space<vmem>>) target_semaphore(%run_scoped3A : memref<!tpu.dma_semaphore, #tpu.memory_space<semaphore_mem>>)
      %dma_wait3A = arith.constant 0 : i32
      %dma_wait3A_32 = arith.constant 0 : i32
      %dma_wait3A_33 = tpu.memref_slice %arg3[%arg1, %arg0, %dma_wait3A, %dma_wait3A_32] : memref<16x2x102x128xi32, #tpu.memory_space<hbm>> -> memref<1x1x102x128xi32, #tpu.memory_space<hbm>>
      %dma_wait3A_34 = tpu.memref_squeeze %dma_wait3A_33 : memref<1x1x102x128xi32, #tpu.memory_space<hbm>> -> memref<102x128xi32, #tpu.memory_space<hbm>>
      %dma_wait3A_35 = arith.constant 0 : i32
      %dma_wait3A_36 = arith.constant 0 : i32
      %dma_wait3A_37 = tpu.memref_slice %arg3[%arg1, %arg0, %dma_wait3A_35, %dma_wait3A_36] : memref<16x2x102x128xi32, #tpu.memory_space<hbm>> -> memref<1x1x102x128xi32, #tpu.memory_space<hbm>>
      %dma_wait3A_38 = tpu.memref_squeeze %dma_wait3A_37 : memref<1x1x102x128xi32, #tpu.memory_space<hbm>> -> memref<102x128xi32, #tpu.memory_space<hbm>>
      tpu.wait_dma2 semaphore(%run_scoped3A : memref<!tpu.dma_semaphore, #tpu.memory_space<semaphore_mem>>) src(%dma_wait3A_38 : memref<102x128xi32, #tpu.memory_space<hbm>>) dst(%arg7 : memref<102x128xi32, #tpu.memory_space<vmem>>)
      tpu.yield
    }) : () -> ()
    "tpu.region"() ({
      %run_scoped3A = tpu.sem_alloc : memref<!tpu.dma_semaphore, #tpu.memory_space<semaphore_mem>>
      %dma_start3A = arith.constant 0 : i32
      %dma_start3A_25 = arith.constant 0 : i32
      %dma_start3A_26 = tpu.memref_slice %arg4[%arg1, %arg0, %dma_start3A, %dma_start3A_25] : memref<16x2x102x128xi32, #tpu.memory_space<hbm>> -> memref<1x1x102x128xi32, #tpu.memory_space<hbm>>
      %dma_start3A_27 = tpu.memref_squeeze %dma_start3A_26 : memref<1x1x102x128xi32, #tpu.memory_space<hbm>> -> memref<102x128xi32, #tpu.memory_space<hbm>>
      %dma_start3A_28 = arith.constant 0 : i32
      %dma_start3A_29 = arith.constant 0 : i32
      %dma_start3A_30 = tpu.memref_slice %arg4[%arg1, %arg0, %dma_start3A_28, %dma_start3A_29] : memref<16x2x102x128xi32, #tpu.memory_space<hbm>> -> memref<1x1x102x128xi32, #tpu.memory_space<hbm>>
      %dma_start3A_31 = tpu.memref_squeeze %dma_start3A_30 : memref<1x1x102x128xi32, #tpu.memory_space<hbm>> -> memref<102x128xi32, #tpu.memory_space<hbm>>
      tpu.enqueue_dma source(%dma_start3A_31 : memref<102x128xi32, #tpu.memory_space<hbm>>) target(%arg8 : memref<102x128xi32, #tpu.memory_space<vmem>>) target_semaphore(%run_scoped3A : memref<!tpu.dma_semaphore, #tpu.memory_space<semaphore_mem>>)
      %dma_wait3A = arith.constant 0 : i32
      %dma_wait3A_32 = arith.constant 0 : i32
      %dma_wait3A_33 = tpu.memref_slice %arg4[%arg1, %arg0, %dma_wait3A, %dma_wait3A_32] : memref<16x2x102x128xi32, #tpu.memory_space<hbm>> -> memref<1x1x102x128xi32, #tpu.memory_space<hbm>>
      %dma_wait3A_34 = tpu.memref_squeeze %dma_wait3A_33 : memref<1x1x102x128xi32, #tpu.memory_space<hbm>> -> memref<102x128xi32, #tpu.memory_space<hbm>>
      %dma_wait3A_35 = arith.constant 0 : i32
      %dma_wait3A_36 = arith.constant 0 : i32
      %dma_wait3A_37 = tpu.memref_slice %arg4[%arg1, %arg0, %dma_wait3A_35, %dma_wait3A_36] : memref<16x2x102x128xi32, #tpu.memory_space<hbm>> -> memref<1x1x102x128xi32, #tpu.memory_space<hbm>>
      %dma_wait3A_38 = tpu.memref_squeeze %dma_wait3A_37 : memref<1x1x102x128xi32, #tpu.memory_space<hbm>> -> memref<102x128xi32, #tpu.memory_space<hbm>>
      tpu.wait_dma2 semaphore(%run_scoped3A : memref<!tpu.dma_semaphore, #tpu.memory_space<semaphore_mem>>) src(%dma_wait3A_38 : memref<102x128xi32, #tpu.memory_space<hbm>>) dst(%arg8 : memref<102x128xi32, #tpu.memory_space<vmem>>)
      tpu.yield
    }) : () -> ()
    %barrier3A = arith.constant 0 : index
    tpu.barrier barrier_id(%barrier3A)
    %eq3A = arith.constant 0 : i32
    %eq3A_3 = arith.cmpi eq, %arg0, %eq3A : i32
    %jit3A = arith.constant 102 : i32
    %jit3A_4 = arith.constant 55 : i32
    %select_n3A = arith.select %eq3A_3, %jit3A, %jit3A_4 : i32
    %sub3A = arith.constant 0 : i32
    %sub3A_5 = arith.subi %select_n3A, %sub3A : i32
    %sub3A_6 = arith.constant 1 : i32
    %sub3A_7 = arith.constant 1 : i32
    %sub3A_8 = arith.subi %sub3A_6, %sub3A_7 : i32
    %add3A = arith.addi %sub3A_5, %sub3A_8 : i32
    %div3A = arith.constant 1 : i32
    %div3A_9 = arith.divsi %add3A, %div3A : i32
    %while3A = arith.constant 1 : i32
    %while3A_10 = arith.constant 0 : i32
    %while3A_11 = arith.constant 0 : i32
    %while3A_12 = arith.subi %div3A_9, %while3A_11 : i32
    %while3A_13 = arith.addi %while3A_11, %while3A_12 : i32
    %while3A_14 = arith.constant 1 : i32
    %while3A_15 = arith.divsi %while3A_12, %while3A_14 : i32
    %while3A_16 = arith.muli %while3A_15, %while3A_14 : i32
    %while3A_17 = arith.addi %while3A_11, %while3A_16 : i32
    %while3A_18 = arith.constant 1 : i32
    scf.for %while3A_25 = %while3A_11 to %while3A_17 step %while3A_18  : i32 {
      %mul3A_26 = arith.muli %while3A_25, %while3A : i32
      %add3A_27 = arith.addi %while3A_10, %mul3A_26 : i32
      %dma_start3A = arith.constant 0 : i32
      %dma_start3A_28 = tpu.memref_slice %arg7[%add3A_27, %dma_start3A] : memref<102x128xi32, #tpu.memory_space<vmem>> -> memref<1x128xi32, #tpu.memory_space<vmem>>
      %dma_start3A_29 = tpu.memref_squeeze %dma_start3A_28 : memref<1x128xi32, #tpu.memory_space<vmem>> -> memref<128xi32, #tpu.memory_space<vmem>>
      %dma_start3A_30 = arith.constant 0 : i32
      %dma_start3A_31 = arith.constant 0 : i32
      %dma_start3A_32 = tpu.memref_slice %arg2[%dma_start3A_30, %dma_start3A_31] : memref<10000x128xf32, #tpu.memory_space<hbm>> -> memref<10000x128xf32, #tpu.memory_space<hbm>>
      tpu.enqueue_indirect_dma source(%dma_start3A_32 : memref<10000x128xf32, #tpu.memory_space<hbm>>) target(%arg9 : memref<128x128xf32, #tpu.memory_space<vmem>>) offsets(%dma_start3A_29 : memref<128xi32, #tpu.memory_space<vmem>>) semaphore(%arg11 : memref<!tpu.dma_semaphore, #tpu.memory_space<semaphore_mem>>)
      %dma_wait3A = arith.constant 0 : i32
      %dma_wait3A_33 = tpu.memref_slice %arg7[%add3A_27, %dma_wait3A] : memref<102x128xi32, #tpu.memory_space<vmem>> -> memref<1x128xi32, #tpu.memory_space<vmem>>
      %dma_wait3A_34 = tpu.memref_squeeze %dma_wait3A_33 : memref<1x128xi32, #tpu.memory_space<vmem>> -> memref<128xi32, #tpu.memory_space<vmem>>
      %dma_wait3A_35 = arith.constant 0 : i32
      %dma_wait3A_36 = arith.constant 0 : i32
      %dma_wait3A_37 = tpu.memref_slice %arg2[%dma_wait3A_35, %dma_wait3A_36] : memref<10000x128xf32, #tpu.memory_space<hbm>> -> memref<10000x128xf32, #tpu.memory_space<hbm>>
      tpu.wait_indirect_dma semaphore(%arg11 : memref<!tpu.dma_semaphore, #tpu.memory_space<semaphore_mem>>) src(%dma_wait3A_37 : memref<10000x128xf32, #tpu.memory_space<hbm>>) dst(%arg9 : memref<128x128xf32, #tpu.memory_space<vmem>>)
      "tpu.region"() ({
        %run_scoped3A = tpu.sem_alloc : memref<!tpu.dma_semaphore, #tpu.memory_space<semaphore_mem>>
        %dma_start3A_38 = arith.constant 0 : i32
        %dma_start3A_39 = tpu.memref_slice %arg8[%add3A_27, %dma_start3A_38] : memref<102x128xi32, #tpu.memory_space<vmem>> -> memref<1x128xi32, #tpu.memory_space<vmem>>
        %dma_start3A_40 = tpu.memref_squeeze %dma_start3A_39 : memref<1x128xi32, #tpu.memory_space<vmem>> -> memref<128xi32, #tpu.memory_space<vmem>>
        %dma_start3A_41 = arith.constant 0 : i32
        %dma_start3A_42 = arith.constant 0 : i32
        %dma_start3A_43 = tpu.memref_slice %arg10[%dma_start3A_41, %dma_start3A_42] : memref<10112x128xf32, #tpu.memory_space<vmem_shared>> -> memref<10112x128xf32, #tpu.memory_space<vmem_shared>>
        tpu.enqueue_indirect_dma source(%arg9 : memref<128x128xf32, #tpu.memory_space<vmem>>) target(%dma_start3A_43 : memref<10112x128xf32, #tpu.memory_space<vmem_shared>>) offsets(%dma_start3A_40 : memref<128xi32, #tpu.memory_space<vmem>>) semaphore(%run_scoped3A : memref<!tpu.dma_semaphore, #tpu.memory_space<semaphore_mem>>) {add = true}
        %dma_wait3A_44 = arith.constant 0 : i32
        %dma_wait3A_45 = tpu.memref_slice %arg8[%add3A_27, %dma_wait3A_44] : memref<102x128xi32, #tpu.memory_space<vmem>> -> memref<1x128xi32, #tpu.memory_space<vmem>>
        %dma_wait3A_46 = tpu.memref_squeeze %dma_wait3A_45 : memref<1x128xi32, #tpu.memory_space<vmem>> -> memref<128xi32, #tpu.memory_space<vmem>>
        %dma_wait3A_47 = arith.constant 0 : i32
        %dma_wait3A_48 = arith.constant 0 : i32
        %dma_wait3A_49 = tpu.memref_slice %arg10[%dma_wait3A_47, %dma_wait3A_48] : memref<10112x128xf32, #tpu.memory_space<vmem_shared>> -> memref<10112x128xf32, #tpu.memory_space<vmem_shared>>
        tpu.wait_indirect_dma semaphore(%run_scoped3A : memref<!tpu.dma_semaphore, #tpu.memory_space<semaphore_mem>>) src(%arg9 : memref<128x128xf32, #tpu.memory_space<vmem>>) dst(%dma_wait3A_49 : memref<10112x128xf32, #tpu.memory_space<vmem_shared>>)
        tpu.yield
      }) : () -> ()
    }
    %while3A_19 = arith.constant 1 : i32
    scf.for %while3A_25 = %while3A_17 to %while3A_13 step %while3A_19  : i32 {
      %mul3A_26 = arith.muli %while3A_25, %while3A : i32
      %add3A_27 = arith.addi %while3A_10, %mul3A_26 : i32
      %dma_start3A = arith.constant 0 : i32
      %dma_start3A_28 = tpu.memref_slice %arg7[%add3A_27, %dma_start3A] : memref<102x128xi32, #tpu.memory_space<vmem>> -> memref<1x128xi32, #tpu.memory_space<vmem>>
      %dma_start3A_29 = tpu.memref_squeeze %dma_start3A_28 : memref<1x128xi32, #tpu.memory_space<vmem>> -> memref<128xi32, #tpu.memory_space<vmem>>
      %dma_start3A_30 = arith.constant 0 : i32
      %dma_start3A_31 = arith.constant 0 : i32
      %dma_start3A_32 = tpu.memref_slice %arg2[%dma_start3A_30, %dma_start3A_31] : memref<10000x128xf32, #tpu.memory_space<hbm>> -> memref<10000x128xf32, #tpu.memory_space<hbm>>
      tpu.enqueue_indirect_dma source(%dma_start3A_32 : memref<10000x128xf32, #tpu.memory_space<hbm>>) target(%arg9 : memref<128x128xf32, #tpu.memory_space<vmem>>) offsets(%dma_start3A_29 : memref<128xi32, #tpu.memory_space<vmem>>) semaphore(%arg11 : memref<!tpu.dma_semaphore, #tpu.memory_space<semaphore_mem>>)
      %dma_wait3A = arith.constant 0 : i32
      %dma_wait3A_33 = tpu.memref_slice %arg7[%add3A_27, %dma_wait3A] : memref<102x128xi32, #tpu.memory_space<vmem>> -> memref<1x128xi32, #tpu.memory_space<vmem>>
      %dma_wait3A_34 = tpu.memref_squeeze %dma_wait3A_33 : memref<1x128xi32, #tpu.memory_space<vmem>> -> memref<128xi32, #tpu.memory_space<vmem>>
      %dma_wait3A_35 = arith.constant 0 : i32
      %dma_wait3A_36 = arith.constant 0 : i32
      %dma_wait3A_37 = tpu.memref_slice %arg2[%dma_wait3A_35, %dma_wait3A_36] : memref<10000x128xf32, #tpu.memory_space<hbm>> -> memref<10000x128xf32, #tpu.memory_space<hbm>>
      tpu.wait_indirect_dma semaphore(%arg11 : memref<!tpu.dma_semaphore, #tpu.memory_space<semaphore_mem>>) src(%dma_wait3A_37 : memref<10000x128xf32, #tpu.memory_space<hbm>>) dst(%arg9 : memref<128x128xf32, #tpu.memory_space<vmem>>)
      "tpu.region"() ({
        %run_scoped3A = tpu.sem_alloc : memref<!tpu.dma_semaphore, #tpu.memory_space<semaphore_mem>>
        %dma_start3A_38 = arith.constant 0 : i32
        %dma_start3A_39 = tpu.memref_slice %arg8[%add3A_27, %dma_start3A_38] : memref<102x128xi32, #tpu.memory_space<vmem>> -> memref<1x128xi32, #tpu.memory_space<vmem>>
        %dma_start3A_40 = tpu.memref_squeeze %dma_start3A_39 : memref<1x128xi32, #tpu.memory_space<vmem>> -> memref<128xi32, #tpu.memory_space<vmem>>
        %dma_start3A_41 = arith.constant 0 : i32
        %dma_start3A_42 = arith.constant 0 : i32
        %dma_start3A_43 = tpu.memref_slice %arg10[%dma_start3A_41, %dma_start3A_42] : memref<10112x128xf32, #tpu.memory_space<vmem_shared>> -> memref<10112x128xf32, #tpu.memory_space<vmem_shared>>
        tpu.enqueue_indirect_dma source(%arg9 : memref<128x128xf32, #tpu.memory_space<vmem>>) target(%dma_start3A_43 : memref<10112x128xf32, #tpu.memory_space<vmem_shared>>) offsets(%dma_start3A_40 : memref<128xi32, #tpu.memory_space<vmem>>) semaphore(%run_scoped3A : memref<!tpu.dma_semaphore, #tpu.memory_space<semaphore_mem>>) {add = true}
        %dma_wait3A_44 = arith.constant 0 : i32
        %dma_wait3A_45 = tpu.memref_slice %arg8[%add3A_27, %dma_wait3A_44] : memref<102x128xi32, #tpu.memory_space<vmem>> -> memref<1x128xi32, #tpu.memory_space<vmem>>
        %dma_wait3A_46 = tpu.memref_squeeze %dma_wait3A_45 : memref<1x128xi32, #tpu.memory_space<vmem>> -> memref<128xi32, #tpu.memory_space<vmem>>
        %dma_wait3A_47 = arith.constant 0 : i32
        %dma_wait3A_48 = arith.constant 0 : i32
        %dma_wait3A_49 = tpu.memref_slice %arg10[%dma_wait3A_47, %dma_wait3A_48] : memref<10112x128xf32, #tpu.memory_space<vmem_shared>> -> memref<10112x128xf32, #tpu.memory_space<vmem_shared>>
        tpu.wait_indirect_dma semaphore(%run_scoped3A : memref<!tpu.dma_semaphore, #tpu.memory_space<semaphore_mem>>) src(%arg9 : memref<128x128xf32, #tpu.memory_space<vmem>>) dst(%dma_wait3A_49 : memref<10112x128xf32, #tpu.memory_space<vmem_shared>>)
        tpu.yield
      }) : () -> ()
    }
    %barrier3A_20 = arith.constant 0 : index
    tpu.barrier barrier_id(%barrier3A_20)
    %mul3A_21 = arith.constant 632 : i32
    %mul3A_22 = arith.muli %arg1, %mul3A_21 : i32
    %mul3A_23 = arith.constant 632 : i32
    %mul3A_24 = arith.muli %arg1, %mul3A_23 : i32
    "tpu.region"() ({
      %run_scoped3A = tpu.sem_alloc : memref<!tpu.dma_semaphore, #tpu.memory_space<semaphore_mem>>
      %dma_start3A = arith.constant 0 : i32
      %dma_start3A_25 = tpu.memref_slice %arg6[%arg0, %mul3A_24, %dma_start3A] : memref<2x10112x128xf32, #tpu.memory_space<hbm>> -> memref<1x632x128xf32, #tpu.memory_space<hbm>>
      %dma_start3A_26 = tpu.memref_squeeze %dma_start3A_25 : memref<1x632x128xf32, #tpu.memory_space<hbm>> -> memref<632x128xf32, #tpu.memory_space<hbm>>
      %dma_start3A_27 = arith.constant 0 : i32
      %dma_start3A_28 = tpu.memref_slice %arg10[%mul3A_22, %dma_start3A_27] : memref<10112x128xf32, #tpu.memory_space<vmem_shared>> -> memref<632x128xf32, #tpu.memory_space<vmem_shared>>
      tpu.enqueue_dma source(%dma_start3A_28 : memref<632x128xf32, #tpu.memory_space<vmem_shared>>) target(%dma_start3A_26 : memref<632x128xf32, #tpu.memory_space<hbm>>) target_semaphore(%run_scoped3A : memref<!tpu.dma_semaphore, #tpu.memory_space<semaphore_mem>>)
      %dma_wait3A = arith.constant 0 : i32
      %dma_wait3A_29 = tpu.memref_slice %arg6[%arg0, %mul3A_24, %dma_wait3A] : memref<2x10112x128xf32, #tpu.memory_space<hbm>> -> memref<1x632x128xf32, #tpu.memory_space<hbm>>
      %dma_wait3A_30 = tpu.memref_squeeze %dma_wait3A_29 : memref<1x632x128xf32, #tpu.memory_space<hbm>> -> memref<632x128xf32, #tpu.memory_space<hbm>>
      %dma_wait3A_31 = arith.constant 0 : i32
      %dma_wait3A_32 = tpu.memref_slice %arg10[%mul3A_22, %dma_wait3A_31] : memref<10112x128xf32, #tpu.memory_space<vmem_shared>> -> memref<632x128xf32, #tpu.memory_space<vmem_shared>>
      tpu.wait_dma2 semaphore(%run_scoped3A : memref<!tpu.dma_semaphore, #tpu.memory_space<semaphore_mem>>) src(%dma_wait3A_32 : memref<632x128xf32, #tpu.memory_space<vmem_shared>>) dst(%dma_wait3A_30 : memref<632x128xf32, #tpu.memory_space<hbm>>)
      tpu.yield
    }) : () -> ()
    return
  }
}

#map = affine_map<(d0, d1) -> (0, 0)>
#map1 = affine_map<(d0, d1) -> (0, 0, 0, 0)>
#map2 = affine_map<(d0, d1) -> (0, 0, 0)>
module attributes {stable_mosaic.version = 14 : i64} {
  func.func @_agg_body(%arg0: i32, %arg1: i32, %arg2: memref<10000x128xf32, #tpu.memory_space<hbm>>, %arg3: memref<16x2x102x128xi32, #tpu.memory_space<hbm>>, %arg4: memref<16x2x102x128xi32, #tpu.memory_space<hbm>>, %arg5: memref<10112x128xf32, #tpu.memory_space<hbm>>, %arg6: memref<2x10112x128xf32, #tpu.memory_space<hbm>>, %arg7: memref<102x128xi32, #tpu.memory_space<vmem>>, %arg8: memref<102x128xi32, #tpu.memory_space<vmem>>, %arg9: memref<128x128xf32, #tpu.memory_space<vmem>>, %arg10: memref<10112x128xf32, #tpu.memory_space<vmem_shared>>, %arg11: memref<!tpu.dma_semaphore, #tpu.memory_space<semaphore_mem>>) attributes {dimension_semantics = [#tpu.dimension_semantics<core_parallel>, #tpu.dimension_semantics<subcore_parallel>], iteration_bounds = array<i64: 2, 16>, scalar_prefetch = 0 : i64, scratch_operands = 5 : i64, tpu.core_type = #tpu.core_type<sc_vector_subcore>, window_params = [{transform_indices = #map}, {transform_indices = #map1}, {transform_indices = #map1}, {transform_indices = #map}, {transform_indices = #map2}]} {
    %mul3A = arith.constant 632 : i32
    %mul3A_0 = arith.muli %arg1, %mul3A : i32
    %mul3A_1 = arith.constant 632 : i32
    %mul3A_2 = arith.muli %arg1, %mul3A_1 : i32
    "tpu.region"() ({
      %run_scoped3A = tpu.sem_alloc : memref<!tpu.dma_semaphore, #tpu.memory_space<semaphore_mem>>
      %dma_start3A = arith.constant 0 : i32
      %dma_start3A_25 = tpu.memref_slice %arg10[%mul3A_2, %dma_start3A] : memref<10112x128xf32, #tpu.memory_space<vmem_shared>> -> memref<632x128xf32, #tpu.memory_space<vmem_shared>>
      %dma_start3A_26 = arith.constant 0 : i32
      %dma_start3A_27 = tpu.memref_slice %arg5[%mul3A_0, %dma_start3A_26] : memref<10112x128xf32, #tpu.memory_space<hbm>> -> memref<632x128xf32, #tpu.memory_space<hbm>>
      tpu.enqueue_dma source(%dma_start3A_27 : memref<632x128xf32, #tpu.memory_space<hbm>>) target(%dma_start3A_25 : memref<632x128xf32, #tpu.memory_space<vmem_shared>>) target_semaphore(%run_scoped3A : memref<!tpu.dma_semaphore, #tpu.memory_space<semaphore_mem>>)
      %dma_wait3A = arith.constant 0 : i32
      %dma_wait3A_28 = tpu.memref_slice %arg10[%mul3A_2, %dma_wait3A] : memref<10112x128xf32, #tpu.memory_space<vmem_shared>> -> memref<632x128xf32, #tpu.memory_space<vmem_shared>>
      %dma_wait3A_29 = arith.constant 0 : i32
      %dma_wait3A_30 = tpu.memref_slice %arg5[%mul3A_0, %dma_wait3A_29] : memref<10112x128xf32, #tpu.memory_space<hbm>> -> memref<632x128xf32, #tpu.memory_space<hbm>>
      tpu.wait_dma2 semaphore(%run_scoped3A : memref<!tpu.dma_semaphore, #tpu.memory_space<semaphore_mem>>) src(%dma_wait3A_30 : memref<632x128xf32, #tpu.memory_space<hbm>>) dst(%dma_wait3A_28 : memref<632x128xf32, #tpu.memory_space<vmem_shared>>)
      tpu.yield
    }) : () -> ()
    "tpu.region"() ({
      %run_scoped3A = tpu.sem_alloc : memref<!tpu.dma_semaphore, #tpu.memory_space<semaphore_mem>>
      %dma_start3A = arith.constant 0 : i32
      %dma_start3A_25 = arith.constant 0 : i32
      %dma_start3A_26 = tpu.memref_slice %arg3[%arg1, %arg0, %dma_start3A, %dma_start3A_25] : memref<16x2x102x128xi32, #tpu.memory_space<hbm>> -> memref<1x1x102x128xi32, #tpu.memory_space<hbm>>
      %dma_start3A_27 = tpu.memref_squeeze %dma_start3A_26 : memref<1x1x102x128xi32, #tpu.memory_space<hbm>> -> memref<102x128xi32, #tpu.memory_space<hbm>>
      %dma_start3A_28 = arith.constant 0 : i32
      %dma_start3A_29 = arith.constant 0 : i32
      %dma_start3A_30 = tpu.memref_slice %arg3[%arg1, %arg0, %dma_start3A_28, %dma_start3A_29] : memref<16x2x102x128xi32, #tpu.memory_space<hbm>> -> memref<1x1x102x128xi32, #tpu.memory_space<hbm>>
      %dma_start3A_31 = tpu.memref_squeeze %dma_start3A_30 : memref<1x1x102x128xi32, #tpu.memory_space<hbm>> -> memref<102x128xi32, #tpu.memory_space<hbm>>
      tpu.enqueue_dma source(%dma_start3A_31 : memref<102x128xi32, #tpu.memory_space<hbm>>) target(%arg7 : memref<102x128xi32, #tpu.memory_space<vmem>>) target_semaphore(%run_scoped3A : memref<!tpu.dma_semaphore, #tpu.memory_space<semaphore_mem>>)
      %dma_wait3A = arith.constant 0 : i32
      %dma_wait3A_32 = arith.constant 0 : i32
      %dma_wait3A_33 = tpu.memref_slice %arg3[%arg1, %arg0, %dma_wait3A, %dma_wait3A_32] : memref<16x2x102x128xi32, #tpu.memory_space<hbm>> -> memref<1x1x102x128xi32, #tpu.memory_space<hbm>>
      %dma_wait3A_34 = tpu.memref_squeeze %dma_wait3A_33 : memref<1x1x102x128xi32, #tpu.memory_space<hbm>> -> memref<102x128xi32, #tpu.memory_space<hbm>>
      %dma_wait3A_35 = arith.constant 0 : i32
      %dma_wait3A_36 = arith.constant 0 : i32
      %dma_wait3A_37 = tpu.memref_slice %arg3[%arg1, %arg0, %dma_wait3A_35, %dma_wait3A_36] : memref<16x2x102x128xi32, #tpu.memory_space<hbm>> -> memref<1x1x102x128xi32, #tpu.memory_space<hbm>>
      %dma_wait3A_38 = tpu.memref_squeeze %dma_wait3A_37 : memref<1x1x102x128xi32, #tpu.memory_space<hbm>> -> memref<102x128xi32, #tpu.memory_space<hbm>>
      tpu.wait_dma2 semaphore(%run_scoped3A : memref<!tpu.dma_semaphore, #tpu.memory_space<semaphore_mem>>) src(%dma_wait3A_38 : memref<102x128xi32, #tpu.memory_space<hbm>>) dst(%arg7 : memref<102x128xi32, #tpu.memory_space<vmem>>)
      tpu.yield
    }) : () -> ()
    "tpu.region"() ({
      %run_scoped3A = tpu.sem_alloc : memref<!tpu.dma_semaphore, #tpu.memory_space<semaphore_mem>>
      %dma_start3A = arith.constant 0 : i32
      %dma_start3A_25 = arith.constant 0 : i32
      %dma_start3A_26 = tpu.memref_slice %arg4[%arg1, %arg0, %dma_start3A, %dma_start3A_25] : memref<16x2x102x128xi32, #tpu.memory_space<hbm>> -> memref<1x1x102x128xi32, #tpu.memory_space<hbm>>
      %dma_start3A_27 = tpu.memref_squeeze %dma_start3A_26 : memref<1x1x102x128xi32, #tpu.memory_space<hbm>> -> memref<102x128xi32, #tpu.memory_space<hbm>>
      %dma_start3A_28 = arith.constant 0 : i32
      %dma_start3A_29 = arith.constant 0 : i32
      %dma_start3A_30 = tpu.memref_slice %arg4[%arg1, %arg0, %dma_start3A_28, %dma_start3A_29] : memref<16x2x102x128xi32, #tpu.memory_space<hbm>> -> memref<1x1x102x128xi32, #tpu.memory_space<hbm>>
      %dma_start3A_31 = tpu.memref_squeeze %dma_start3A_30 : memref<1x1x102x128xi32, #tpu.memory_space<hbm>> -> memref<102x128xi32, #tpu.memory_space<hbm>>
      tpu.enqueue_dma source(%dma_start3A_31 : memref<102x128xi32, #tpu.memory_space<hbm>>) target(%arg8 : memref<102x128xi32, #tpu.memory_space<vmem>>) target_semaphore(%run_scoped3A : memref<!tpu.dma_semaphore, #tpu.memory_space<semaphore_mem>>)
      %dma_wait3A = arith.constant 0 : i32
      %dma_wait3A_32 = arith.constant 0 : i32
      %dma_wait3A_33 = tpu.memref_slice %arg4[%arg1, %arg0, %dma_wait3A, %dma_wait3A_32] : memref<16x2x102x128xi32, #tpu.memory_space<hbm>> -> memref<1x1x102x128xi32, #tpu.memory_space<hbm>>
      %dma_wait3A_34 = tpu.memref_squeeze %dma_wait3A_33 : memref<1x1x102x128xi32, #tpu.memory_space<hbm>> -> memref<102x128xi32, #tpu.memory_space<hbm>>
      %dma_wait3A_35 = arith.constant 0 : i32
      %dma_wait3A_36 = arith.constant 0 : i32
      %dma_wait3A_37 = tpu.memref_slice %arg4[%arg1, %arg0, %dma_wait3A_35, %dma_wait3A_36] : memref<16x2x102x128xi32, #tpu.memory_space<hbm>> -> memref<1x1x102x128xi32, #tpu.memory_space<hbm>>
      %dma_wait3A_38 = tpu.memref_squeeze %dma_wait3A_37 : memref<1x1x102x128xi32, #tpu.memory_space<hbm>> -> memref<102x128xi32, #tpu.memory_space<hbm>>
      tpu.wait_dma2 semaphore(%run_scoped3A : memref<!tpu.dma_semaphore, #tpu.memory_space<semaphore_mem>>) src(%dma_wait3A_38 : memref<102x128xi32, #tpu.memory_space<hbm>>) dst(%arg8 : memref<102x128xi32, #tpu.memory_space<vmem>>)
      tpu.yield
    }) : () -> ()
    %barrier3A = arith.constant 0 : index
    tpu.barrier barrier_id(%barrier3A)
    %eq3A = arith.constant 0 : i32
    %eq3A_3 = arith.cmpi eq, %arg0, %eq3A : i32
    %jit3A = arith.constant 102 : i32
    %jit3A_4 = arith.constant 55 : i32
    %select_n3A = arith.select %eq3A_3, %jit3A, %jit3A_4 : i32
    %sub3A = arith.constant 0 : i32
    %sub3A_5 = arith.subi %select_n3A, %sub3A : i32
    %sub3A_6 = arith.constant 1 : i32
    %sub3A_7 = arith.constant 1 : i32
    %sub3A_8 = arith.subi %sub3A_6, %sub3A_7 : i32
    %add3A = arith.addi %sub3A_5, %sub3A_8 : i32
    %div3A = arith.constant 1 : i32
    %div3A_9 = arith.divsi %add3A, %div3A : i32
    %while3A = arith.constant 1 : i32
    %while3A_10 = arith.constant 0 : i32
    %while3A_11 = arith.constant 0 : i32
    %while3A_12 = arith.subi %div3A_9, %while3A_11 : i32
    %while3A_13 = arith.addi %while3A_11, %while3A_12 : i32
    %while3A_14 = arith.constant 1 : i32
    %while3A_15 = arith.divsi %while3A_12, %while3A_14 : i32
    %while3A_16 = arith.muli %while3A_15, %while3A_14 : i32
    %while3A_17 = arith.addi %while3A_11, %while3A_16 : i32
    %while3A_18 = arith.constant 1 : i32
    scf.for %while3A_25 = %while3A_11 to %while3A_17 step %while3A_18  : i32 {
      %mul3A_26 = arith.muli %while3A_25, %while3A : i32
      %add3A_27 = arith.addi %while3A_10, %mul3A_26 : i32
      %dma_start3A = arith.constant 0 : i32
      %dma_start3A_28 = tpu.memref_slice %arg7[%add3A_27, %dma_start3A] : memref<102x128xi32, #tpu.memory_space<vmem>> -> memref<1x128xi32, #tpu.memory_space<vmem>>
      %dma_start3A_29 = tpu.memref_squeeze %dma_start3A_28 : memref<1x128xi32, #tpu.memory_space<vmem>> -> memref<128xi32, #tpu.memory_space<vmem>>
      %dma_start3A_30 = arith.constant 0 : i32
      %dma_start3A_31 = arith.constant 0 : i32
      %dma_start3A_32 = tpu.memref_slice %arg2[%dma_start3A_30, %dma_start3A_31] : memref<10000x128xf32, #tpu.memory_space<hbm>> -> memref<10000x128xf32, #tpu.memory_space<hbm>>
      tpu.enqueue_indirect_dma source(%dma_start3A_32 : memref<10000x128xf32, #tpu.memory_space<hbm>>) target(%arg9 : memref<128x128xf32, #tpu.memory_space<vmem>>) offsets(%dma_start3A_29 : memref<128xi32, #tpu.memory_space<vmem>>) semaphore(%arg11 : memref<!tpu.dma_semaphore, #tpu.memory_space<semaphore_mem>>)
      %dma_wait3A = arith.constant 0 : i32
      %dma_wait3A_33 = tpu.memref_slice %arg7[%add3A_27, %dma_wait3A] : memref<102x128xi32, #tpu.memory_space<vmem>> -> memref<1x128xi32, #tpu.memory_space<vmem>>
      %dma_wait3A_34 = tpu.memref_squeeze %dma_wait3A_33 : memref<1x128xi32, #tpu.memory_space<vmem>> -> memref<128xi32, #tpu.memory_space<vmem>>
      %dma_wait3A_35 = arith.constant 0 : i32
      %dma_wait3A_36 = arith.constant 0 : i32
      %dma_wait3A_37 = tpu.memref_slice %arg2[%dma_wait3A_35, %dma_wait3A_36] : memref<10000x128xf32, #tpu.memory_space<hbm>> -> memref<10000x128xf32, #tpu.memory_space<hbm>>
      tpu.wait_indirect_dma semaphore(%arg11 : memref<!tpu.dma_semaphore, #tpu.memory_space<semaphore_mem>>) src(%dma_wait3A_37 : memref<10000x128xf32, #tpu.memory_space<hbm>>) dst(%arg9 : memref<128x128xf32, #tpu.memory_space<vmem>>)
      "tpu.region"() ({
        %run_scoped3A = tpu.sem_alloc : memref<!tpu.dma_semaphore, #tpu.memory_space<semaphore_mem>>
        %dma_start3A_38 = arith.constant 0 : i32
        %dma_start3A_39 = tpu.memref_slice %arg8[%add3A_27, %dma_start3A_38] : memref<102x128xi32, #tpu.memory_space<vmem>> -> memref<1x128xi32, #tpu.memory_space<vmem>>
        %dma_start3A_40 = tpu.memref_squeeze %dma_start3A_39 : memref<1x128xi32, #tpu.memory_space<vmem>> -> memref<128xi32, #tpu.memory_space<vmem>>
        %dma_start3A_41 = arith.constant 0 : i32
        %dma_start3A_42 = arith.constant 0 : i32
        %dma_start3A_43 = tpu.memref_slice %arg10[%dma_start3A_41, %dma_start3A_42] : memref<10112x128xf32, #tpu.memory_space<vmem_shared>> -> memref<10112x128xf32, #tpu.memory_space<vmem_shared>>
        tpu.enqueue_indirect_dma source(%arg9 : memref<128x128xf32, #tpu.memory_space<vmem>>) target(%dma_start3A_43 : memref<10112x128xf32, #tpu.memory_space<vmem_shared>>) offsets(%dma_start3A_40 : memref<128xi32, #tpu.memory_space<vmem>>) semaphore(%run_scoped3A : memref<!tpu.dma_semaphore, #tpu.memory_space<semaphore_mem>>) {add = true}
        %dma_wait3A_44 = arith.constant 0 : i32
        %dma_wait3A_45 = tpu.memref_slice %arg8[%add3A_27, %dma_wait3A_44] : memref<102x128xi32, #tpu.memory_space<vmem>> -> memref<1x128xi32, #tpu.memory_space<vmem>>
        %dma_wait3A_46 = tpu.memref_squeeze %dma_wait3A_45 : memref<1x128xi32, #tpu.memory_space<vmem>> -> memref<128xi32, #tpu.memory_space<vmem>>
        %dma_wait3A_47 = arith.constant 0 : i32
        %dma_wait3A_48 = arith.constant 0 : i32
        %dma_wait3A_49 = tpu.memref_slice %arg10[%dma_wait3A_47, %dma_wait3A_48] : memref<10112x128xf32, #tpu.memory_space<vmem_shared>> -> memref<10112x128xf32, #tpu.memory_space<vmem_shared>>
        tpu.wait_indirect_dma semaphore(%run_scoped3A : memref<!tpu.dma_semaphore, #tpu.memory_space<semaphore_mem>>) src(%arg9 : memref<128x128xf32, #tpu.memory_space<vmem>>) dst(%dma_wait3A_49 : memref<10112x128xf32, #tpu.memory_space<vmem_shared>>)
        tpu.yield
      }) : () -> ()
    }
    %while3A_19 = arith.constant 1 : i32
    scf.for %while3A_25 = %while3A_17 to %while3A_13 step %while3A_19  : i32 {
      %mul3A_26 = arith.muli %while3A_25, %while3A : i32
      %add3A_27 = arith.addi %while3A_10, %mul3A_26 : i32
      %dma_start3A = arith.constant 0 : i32
      %dma_start3A_28 = tpu.memref_slice %arg7[%add3A_27, %dma_start3A] : memref<102x128xi32, #tpu.memory_space<vmem>> -> memref<1x128xi32, #tpu.memory_space<vmem>>
      %dma_start3A_29 = tpu.memref_squeeze %dma_start3A_28 : memref<1x128xi32, #tpu.memory_space<vmem>> -> memref<128xi32, #tpu.memory_space<vmem>>
      %dma_start3A_30 = arith.constant 0 : i32
      %dma_start3A_31 = arith.constant 0 : i32
      %dma_start3A_32 = tpu.memref_slice %arg2[%dma_start3A_30, %dma_start3A_31] : memref<10000x128xf32, #tpu.memory_space<hbm>> -> memref<10000x128xf32, #tpu.memory_space<hbm>>
      tpu.enqueue_indirect_dma source(%dma_start3A_32 : memref<10000x128xf32, #tpu.memory_space<hbm>>) target(%arg9 : memref<128x128xf32, #tpu.memory_space<vmem>>) offsets(%dma_start3A_29 : memref<128xi32, #tpu.memory_space<vmem>>) semaphore(%arg11 : memref<!tpu.dma_semaphore, #tpu.memory_space<semaphore_mem>>)
      %dma_wait3A = arith.constant 0 : i32
      %dma_wait3A_33 = tpu.memref_slice %arg7[%add3A_27, %dma_wait3A] : memref<102x128xi32, #tpu.memory_space<vmem>> -> memref<1x128xi32, #tpu.memory_space<vmem>>
      %dma_wait3A_34 = tpu.memref_squeeze %dma_wait3A_33 : memref<1x128xi32, #tpu.memory_space<vmem>> -> memref<128xi32, #tpu.memory_space<vmem>>
      %dma_wait3A_35 = arith.constant 0 : i32
      %dma_wait3A_36 = arith.constant 0 : i32
      %dma_wait3A_37 = tpu.memref_slice %arg2[%dma_wait3A_35, %dma_wait3A_36] : memref<10000x128xf32, #tpu.memory_space<hbm>> -> memref<10000x128xf32, #tpu.memory_space<hbm>>
      tpu.wait_indirect_dma semaphore(%arg11 : memref<!tpu.dma_semaphore, #tpu.memory_space<semaphore_mem>>) src(%dma_wait3A_37 : memref<10000x128xf32, #tpu.memory_space<hbm>>) dst(%arg9 : memref<128x128xf32, #tpu.memory_space<vmem>>)
      "tpu.region"() ({
        %run_scoped3A = tpu.sem_alloc : memref<!tpu.dma_semaphore, #tpu.memory_space<semaphore_mem>>
        %dma_start3A_38 = arith.constant 0 : i32
        %dma_start3A_39 = tpu.memref_slice %arg8[%add3A_27, %dma_start3A_38] : memref<102x128xi32, #tpu.memory_space<vmem>> -> memref<1x128xi32, #tpu.memory_space<vmem>>
        %dma_start3A_40 = tpu.memref_squeeze %dma_start3A_39 : memref<1x128xi32, #tpu.memory_space<vmem>> -> memref<128xi32, #tpu.memory_space<vmem>>
        %dma_start3A_41 = arith.constant 0 : i32
        %dma_start3A_42 = arith.constant 0 : i32
        %dma_start3A_43 = tpu.memref_slice %arg10[%dma_start3A_41, %dma_start3A_42] : memref<10112x128xf32, #tpu.memory_space<vmem_shared>> -> memref<10112x128xf32, #tpu.memory_space<vmem_shared>>
        tpu.enqueue_indirect_dma source(%arg9 : memref<128x128xf32, #tpu.memory_space<vmem>>) target(%dma_start3A_43 : memref<10112x128xf32, #tpu.memory_space<vmem_shared>>) offsets(%dma_start3A_40 : memref<128xi32, #tpu.memory_space<vmem>>) semaphore(%run_scoped3A : memref<!tpu.dma_semaphore, #tpu.memory_space<semaphore_mem>>) {add = true}
        %dma_wait3A_44 = arith.constant 0 : i32
        %dma_wait3A_45 = tpu.memref_slice %arg8[%add3A_27, %dma_wait3A_44] : memref<102x128xi32, #tpu.memory_space<vmem>> -> memref<1x128xi32, #tpu.memory_space<vmem>>
        %dma_wait3A_46 = tpu.memref_squeeze %dma_wait3A_45 : memref<1x128xi32, #tpu.memory_space<vmem>> -> memref<128xi32, #tpu.memory_space<vmem>>
        %dma_wait3A_47 = arith.constant 0 : i32
        %dma_wait3A_48 = arith.constant 0 : i32
        %dma_wait3A_49 = tpu.memref_slice %arg10[%dma_wait3A_47, %dma_wait3A_48] : memref<10112x128xf32, #tpu.memory_space<vmem_shared>> -> memref<10112x128xf32, #tpu.memory_space<vmem_shared>>
        tpu.wait_indirect_dma semaphore(%run_scoped3A : memref<!tpu.dma_semaphore, #tpu.memory_space<semaphore_mem>>) src(%arg9 : memref<128x128xf32, #tpu.memory_space<vmem>>) dst(%dma_wait3A_49 : memref<10112x128xf32, #tpu.memory_space<vmem_shared>>)
        tpu.yield
      }) : () -> ()
    }
    %barrier3A_20 = arith.constant 0 : index
    tpu.barrier barrier_id(%barrier3A_20)
    %mul3A_21 = arith.constant 632 : i32
    %mul3A_22 = arith.muli %arg1, %mul3A_21 : i32
    %mul3A_23 = arith.constant 632 : i32
    %mul3A_24 = arith.muli %arg1, %mul3A_23 : i32
    "tpu.region"() ({
      %run_scoped3A = tpu.sem_alloc : memref<!tpu.dma_semaphore, #tpu.memory_space<semaphore_mem>>
      %dma_start3A = arith.constant 0 : i32
      %dma_start3A_25 = tpu.memref_slice %arg6[%arg0, %mul3A_24, %dma_start3A] : memref<2x10112x128xf32, #tpu.memory_space<hbm>> -> memref<1x632x128xf32, #tpu.memory_space<hbm>>
      %dma_start3A_26 = tpu.memref_squeeze %dma_start3A_25 : memref<1x632x128xf32, #tpu.memory_space<hbm>> -> memref<632x128xf32, #tpu.memory_space<hbm>>
      %dma_start3A_27 = arith.constant 0 : i32
      %dma_start3A_28 = tpu.memref_slice %arg10[%mul3A_22, %dma_start3A_27] : memref<10112x128xf32, #tpu.memory_space<vmem_shared>> -> memref<632x128xf32, #tpu.memory_space<vmem_shared>>
      tpu.enqueue_dma source(%dma_start3A_28 : memref<632x128xf32, #tpu.memory_space<vmem_shared>>) target(%dma_start3A_26 : memref<632x128xf32, #tpu.memory_space<hbm>>) target_semaphore(%run_scoped3A : memref<!tpu.dma_semaphore, #tpu.memory_space<semaphore_mem>>)
      %dma_wait3A = arith.constant 0 : i32
      %dma_wait3A_29 = tpu.memref_slice %arg6[%arg0, %mul3A_24, %dma_wait3A] : memref<2x10112x128xf32, #tpu.memory_space<hbm>> -> memref<1x632x128xf32, #tpu.memory_space<hbm>>
      %dma_wait3A_30 = tpu.memref_squeeze %dma_wait3A_29 : memref<1x632x128xf32, #tpu.memory_space<hbm>> -> memref<632x128xf32, #tpu.memory_space<hbm>>
      %dma_wait3A_31 = arith.constant 0 : i32
      %dma_wait3A_32 = tpu.memref_slice %arg10[%mul3A_22, %dma_wait3A_31] : memref<10112x128xf32, #tpu.memory_space<vmem_shared>> -> memref<632x128xf32, #tpu.memory_space<vmem_shared>>
      tpu.wait_dma2 semaphore(%run_scoped3A : memref<!tpu.dma_semaphore, #tpu.memory_space<semaphore_mem>>) src(%dma_wait3A_32 : memref<632x128xf32, #tpu.memory_space<vmem_shared>>) dst(%dma_wait3A_30 : memref<632x128xf32, #tpu.memory_space<hbm>>)
      tpu.yield
    }) : () -> ()
    return
  }
}

module attributes {stable_mosaic.version = 14 : i64} {
  func.func @_emb_body(%arg0: memref<10000x128xf32, #tpu.memory_space<vmem>>, %arg1: memref<128x128xf32, #tpu.memory_space<vmem>>, %arg2: memref<1x128xf32, #tpu.memory_space<vmem>>, %arg3: memref<10000x128xf32, #tpu.memory_space<vmem>>) attributes {dimension_semantics = [], scalar_prefetch = 0 : i64, scratch_operands = 0 : i64, tpu.core_type = #tpu.core_type<tc>} {
    %get3A = arith.constant 0 : index
    %get3A_0 = arith.constant 0 : index
    %get3A_1 = vector.load %arg0[%get3A, %get3A_0] : memref<10000x128xf32, #tpu.memory_space<vmem>>, vector<10000x128xf32>
    %get3A_2 = arith.constant 0 : index
    %get3A_3 = arith.constant 0 : index
    %get3A_4 = vector.load %arg1[%get3A_2, %get3A_3] : memref<128x128xf32, #tpu.memory_space<vmem>>, vector<128x128xf32>
    %dot_general3A = arith.constant dense<0.000000e+00> : vector<10000x128xf32>
    %dot_general3A_5 = tpu.matmul %get3A_1, %get3A_4, %dot_general3A {dimension_numbers = #tpu.dot_dimension_numbers<[1], [0], [0], [1], [0, 0, 1, 1], [], []>, transpose_lhs_hint = false} : vector<10000x128xf32>, vector<128x128xf32>, vector<10000x128xf32> -> vector<10000x128xf32>
    %get3A_6 = arith.constant 0 : index
    %get3A_7 = arith.constant 0 : index
    %get3A_8 = vector.load %arg2[%get3A_6, %get3A_7] : memref<1x128xf32, #tpu.memory_space<vmem>>, vector<1x128xf32>
    %add3A = vector.broadcast %get3A_8 : vector<1x128xf32> to vector<10000x128xf32>
    %add3A_9 = arith.addf %dot_general3A_5, %add3A : vector<10000x128xf32>
    %swap3A = arith.constant 0 : index
    %swap3A_10 = arith.constant 0 : index
    %swap3A_11 = vector.load %arg3[%swap3A, %swap3A_10] : memref<10000x128xf32, #tpu.memory_space<vmem>>, vector<10000x128xf32>
    tpu.vector_store %arg3[%swap3A, %swap3A_10], %add3A_9 {strides = array<i32>} : memref<10000x128xf32, #tpu.memory_space<vmem>>, vector<10000x128xf32>,
    return
  }
}

module attributes {stable_mosaic.version = 14 : i64} {
  func.func @_layer_body(%arg0: memref<10000x128xf32, #tpu.memory_space<vmem>>, %arg1: memref<10112x128xf32, #tpu.memory_space<vmem>>, %arg2: memref<10112x128xf32, #tpu.memory_space<vmem>>, %arg3: memref<1x1xf32, #tpu.memory_space<vmem>>, %arg4: memref<128x128xf32, #tpu.memory_space<vmem>>, %arg5: memref<1x128xf32, #tpu.memory_space<vmem>>, %arg6: memref<128x128xf32, #tpu.memory_space<vmem>>, %arg7: memref<1x128xf32, #tpu.memory_space<vmem>>, %arg8: memref<1x128xf32, #tpu.memory_space<vmem>>, %arg9: memref<1x128xf32, #tpu.memory_space<vmem>>, %arg10: memref<1x128xf32, #tpu.memory_space<vmem>>, %arg11: memref<1x128xf32, #tpu.memory_space<vmem>>, %arg12: memref<10000x128xf32, #tpu.memory_space<vmem>>) attributes {dimension_semantics = [], scalar_prefetch = 0 : i64, scratch_operands = 0 : i64, tpu.core_type = #tpu.core_type<tc>} {
    %get3A = arith.constant 0 : index
    %get3A_0 = arith.constant 0 : index
    %get3A_1 = vector.load %arg0[%get3A, %get3A_0] : memref<10000x128xf32, #tpu.memory_space<vmem>>, vector<10000x128xf32>
    %get3A_2 = arith.constant 0 : index
    %get3A_3 = arith.constant 0 : index
    %get3A_4 = vector.load %arg3[%get3A_2, %get3A_3] : memref<1x1xf32, #tpu.memory_space<vmem>>, vector<1x1xf32>
    %get3A_5 = vector.extract %get3A_4[0, 0] : f32 from vector<1x1xf32>
    %mul3A = vector.broadcast %get3A_5 : f32 to vector<10000x128xf32>
    %mul3A_6 = arith.mulf %mul3A, %get3A_1 : vector<10000x128xf32>
    %get3A_7 = arith.constant 0 : index
    %get3A_8 = arith.constant 0 : index
    %get3A_9 = vector.load %arg1[%get3A_7, %get3A_8] : memref<10112x128xf32, #tpu.memory_space<vmem>>, vector<10000x128xf32>
    %add3A = arith.addf %mul3A_6, %get3A_9 : vector<10000x128xf32>
    %get3A_10 = arith.constant 0 : index
    %get3A_11 = arith.constant 0 : index
    %get3A_12 = vector.load %arg2[%get3A_10, %get3A_11] : memref<10112x128xf32, #tpu.memory_space<vmem>>, vector<10000x128xf32>
    %add3A_13 = arith.addf %add3A, %get3A_12 : vector<10000x128xf32>
    %get3A_14 = arith.constant 0 : index
    %get3A_15 = arith.constant 0 : index
    %get3A_16 = vector.load %arg4[%get3A_14, %get3A_15] : memref<128x128xf32, #tpu.memory_space<vmem>>, vector<128x128xf32>
    %dot_general3A = arith.constant dense<0.000000e+00> : vector<10000x128xf32>
    %dot_general3A_17 = tpu.matmul %add3A_13, %get3A_16, %dot_general3A {dimension_numbers = #tpu.dot_dimension_numbers<[1], [0], [0], [1], [0, 0, 1, 1], [], []>, transpose_lhs_hint = false} : vector<10000x128xf32>, vector<128x128xf32>, vector<10000x128xf32> -> vector<10000x128xf32>
    %get3A_18 = arith.constant 0 : index
    %get3A_19 = arith.constant 0 : index
    %get3A_20 = vector.load %arg5[%get3A_18, %get3A_19] : memref<1x128xf32, #tpu.memory_space<vmem>>, vector<1x128xf32>
    %add3A_21 = vector.broadcast %get3A_20 : vector<1x128xf32> to vector<10000x128xf32>
    %add3A_22 = arith.addf %dot_general3A_17, %add3A_21 : vector<10000x128xf32>
    %get3A_23 = arith.constant 0 : index
    %get3A_24 = arith.constant 0 : index
    %get3A_25 = vector.load %arg8[%get3A_23, %get3A_24] : memref<1x128xf32, #tpu.memory_space<vmem>>, vector<1x128xf32>
    %get3A_26 = arith.constant 0 : index
    %get3A_27 = arith.constant 0 : index
    %get3A_28 = vector.load %arg9[%get3A_26, %get3A_27] : memref<1x128xf32, #tpu.memory_space<vmem>>, vector<1x128xf32>
    %reduce_sum3A = arith.constant dense<0.000000e+00> : vector<128xf32>
    %reduce_sum3A_29 = vector.multi_reduction <add>, %add3A_22, %reduce_sum3A [0] : vector<10000x128xf32> to vector<128xf32>
    %div3A = arith.constant 1.000000e+04 : f32
    %div3A_30 = vector.broadcast %div3A : f32 to vector<128xf32>
    %div3A_31 = arith.divf %reduce_sum3A_29, %div3A_30 : vector<128xf32>
    %jit3A = arith.constant 0 : i32
    %reduce_sum3A_32 = arith.constant dense<0.000000e+00> : vector<128xf32>
    %reduce_sum3A_33 = vector.multi_reduction <add>, %add3A_22, %reduce_sum3A_32 [0] : vector<10000x128xf32> to vector<128xf32>
    %broadcast_in_dim3A = vector.shape_cast %reduce_sum3A_33 : vector<128xf32> to vector<1x128xf32>
    %div3A_34 = arith.constant 1.000000e+04 : f32
    %div3A_35 = vector.broadcast %div3A_34 : f32 to vector<1x128xf32>
    %div3A_36 = arith.divf %broadcast_in_dim3A, %div3A_35 : vector<1x128xf32>
    %sub3A = vector.broadcast %div3A_36 : vector<1x128xf32> to vector<10000x128xf32>
    %sub3A_37 = arith.subf %add3A_22, %sub3A : vector<10000x128xf32>
    %square3A = arith.mulf %sub3A_37, %sub3A_37 : vector<10000x128xf32>
    %convert_element_type3A = arith.sitofp %jit3A : i32 to f32
    %sub3A_38 = arith.constant 1.000000e+04 : f32
    %sub3A_39 = arith.subf %sub3A_38, %convert_element_type3A : f32
    %reduce_sum3A_40 = arith.constant dense<0.000000e+00> : vector<128xf32>
    %reduce_sum3A_41 = vector.multi_reduction <add>, %square3A, %reduce_sum3A_40 [0] : vector<10000x128xf32> to vector<128xf32>
    %div3A_42 = vector.broadcast %sub3A_39 : f32 to vector<128xf32>
    %div3A_43 = arith.divf %reduce_sum3A_41, %div3A_42 : vector<128xf32>
    %gt3A = arith.constant 0.000000e+00 : f32
    %gt3A_44 = arith.cmpf ogt, %sub3A_39, %gt3A : f32
    %jit3A_45 = arith.constant 0x7FC00000 : f32
    %broadcast_in_dim3A_46 = vector.broadcast %jit3A_45 : f32 to vector<128xf32>
    %select_n3A = arith.select %gt3A_44, %div3A_43, %broadcast_in_dim3A_46 : vector<128xf32>
    %broadcast_in_dim3A_47 = vector.shape_cast %div3A_31 : vector<128xf32> to vector<1x128xf32>
    %sub3A_48 = vector.broadcast %broadcast_in_dim3A_47 : vector<1x128xf32> to vector<10000x128xf32>
    %sub3A_49 = arith.subf %add3A_22, %sub3A_48 : vector<10000x128xf32>
    %add3A_50 = arith.constant 9.99999974E-6 : f32
    %add3A_51 = vector.broadcast %add3A_50 : f32 to vector<128xf32>
    %add3A_52 = arith.addf %select_n3A, %add3A_51 : vector<128xf32>
    %sqrt3A = math.sqrt %add3A_52 : vector<128xf32>
    %broadcast_in_dim3A_53 = vector.shape_cast %sqrt3A : vector<128xf32> to vector<1x128xf32>
    %div3A_54 = vector.broadcast %broadcast_in_dim3A_53 : vector<1x128xf32> to vector<10000x128xf32>
    %div3A_55 = arith.divf %sub3A_49, %div3A_54 : vector<10000x128xf32>
    %mul3A_56 = vector.broadcast %get3A_25 : vector<1x128xf32> to vector<10000x128xf32>
    %mul3A_57 = arith.mulf %div3A_55, %mul3A_56 : vector<10000x128xf32>
    %add3A_58 = vector.broadcast %get3A_28 : vector<1x128xf32> to vector<10000x128xf32>
    %add3A_59 = arith.addf %mul3A_57, %add3A_58 : vector<10000x128xf32>
    %max3A = arith.constant 0.000000e+00 : f32
    %max3A_60 = vector.broadcast %max3A : f32 to vector<10000x128xf32>
    %max3A_61 = arith.maximumf %add3A_59, %max3A_60 : vector<10000x128xf32>
    %get3A_62 = arith.constant 0 : index
    %get3A_63 = arith.constant 0 : index
    %get3A_64 = vector.load %arg6[%get3A_62, %get3A_63] : memref<128x128xf32, #tpu.memory_space<vmem>>, vector<128x128xf32>
    %dot_general3A_65 = arith.constant dense<0.000000e+00> : vector<10000x128xf32>
    %dot_general3A_66 = tpu.matmul %max3A_61, %get3A_64, %dot_general3A_65 {dimension_numbers = #tpu.dot_dimension_numbers<[1], [0], [0], [1], [0, 0, 1, 1], [], []>, transpose_lhs_hint = false} : vector<10000x128xf32>, vector<128x128xf32>, vector<10000x128xf32> -> vector<10000x128xf32>
    %get3A_67 = arith.constant 0 : index
    %get3A_68 = arith.constant 0 : index
    %get3A_69 = vector.load %arg7[%get3A_67, %get3A_68] : memref<1x128xf32, #tpu.memory_space<vmem>>, vector<1x128xf32>
    %add3A_70 = vector.broadcast %get3A_69 : vector<1x128xf32> to vector<10000x128xf32>
    %add3A_71 = arith.addf %dot_general3A_66, %add3A_70 : vector<10000x128xf32>
    %get3A_72 = arith.constant 0 : index
    %get3A_73 = arith.constant 0 : index
    %get3A_74 = vector.load %arg10[%get3A_72, %get3A_73] : memref<1x128xf32, #tpu.memory_space<vmem>>, vector<1x128xf32>
    %get3A_75 = arith.constant 0 : index
    %get3A_76 = arith.constant 0 : index
    %get3A_77 = vector.load %arg11[%get3A_75, %get3A_76] : memref<1x128xf32, #tpu.memory_space<vmem>>, vector<1x128xf32>
    %reduce_sum3A_78 = arith.constant dense<0.000000e+00> : vector<128xf32>
    %reduce_sum3A_79 = vector.multi_reduction <add>, %add3A_71, %reduce_sum3A_78 [0] : vector<10000x128xf32> to vector<128xf32>
    %div3A_80 = arith.constant 1.000000e+04 : f32
    %div3A_81 = vector.broadcast %div3A_80 : f32 to vector<128xf32>
    %div3A_82 = arith.divf %reduce_sum3A_79, %div3A_81 : vector<128xf32>
    %jit3A_83 = arith.constant 0 : i32
    %reduce_sum3A_84 = arith.constant dense<0.000000e+00> : vector<128xf32>
    %reduce_sum3A_85 = vector.multi_reduction <add>, %add3A_71, %reduce_sum3A_84 [0] : vector<10000x128xf32> to vector<128xf32>
    %broadcast_in_dim3A_86 = vector.shape_cast %reduce_sum3A_85 : vector<128xf32> to vector<1x128xf32>
    %div3A_87 = arith.constant 1.000000e+04 : f32
    %div3A_88 = vector.broadcast %div3A_87 : f32 to vector<1x128xf32>
    %div3A_89 = arith.divf %broadcast_in_dim3A_86, %div3A_88 : vector<1x128xf32>
    %sub3A_90 = vector.broadcast %div3A_89 : vector<1x128xf32> to vector<10000x128xf32>
    %sub3A_91 = arith.subf %add3A_71, %sub3A_90 : vector<10000x128xf32>
    %square3A_92 = arith.mulf %sub3A_91, %sub3A_91 : vector<10000x128xf32>
    %convert_element_type3A_93 = arith.sitofp %jit3A_83 : i32 to f32
    %sub3A_94 = arith.constant 1.000000e+04 : f32
    %sub3A_95 = arith.subf %sub3A_94, %convert_element_type3A_93 : f32
    %reduce_sum3A_96 = arith.constant dense<0.000000e+00> : vector<128xf32>
    %reduce_sum3A_97 = vector.multi_reduction <add>, %square3A_92, %reduce_sum3A_96 [0] : vector<10000x128xf32> to vector<128xf32>
    %div3A_98 = vector.broadcast %sub3A_95 : f32 to vector<128xf32>
    %div3A_99 = arith.divf %reduce_sum3A_97, %div3A_98 : vector<128xf32>
    %gt3A_100 = arith.constant 0.000000e+00 : f32
    %gt3A_101 = arith.cmpf ogt, %sub3A_95, %gt3A_100 : f32
    %jit3A_102 = arith.constant 0x7FC00000 : f32
    %broadcast_in_dim3A_103 = vector.broadcast %jit3A_102 : f32 to vector<128xf32>
    %select_n3A_104 = arith.select %gt3A_101, %div3A_99, %broadcast_in_dim3A_103 : vector<128xf32>
    %broadcast_in_dim3A_105 = vector.shape_cast %div3A_82 : vector<128xf32> to vector<1x128xf32>
    %sub3A_106 = vector.broadcast %broadcast_in_dim3A_105 : vector<1x128xf32> to vector<10000x128xf32>
    %sub3A_107 = arith.subf %add3A_71, %sub3A_106 : vector<10000x128xf32>
    %add3A_108 = arith.constant 9.99999974E-6 : f32
    %add3A_109 = vector.broadcast %add3A_108 : f32 to vector<128xf32>
    %add3A_110 = arith.addf %select_n3A_104, %add3A_109 : vector<128xf32>
    %sqrt3A_111 = math.sqrt %add3A_110 : vector<128xf32>
    %broadcast_in_dim3A_112 = vector.shape_cast %sqrt3A_111 : vector<128xf32> to vector<1x128xf32>
    %div3A_113 = vector.broadcast %broadcast_in_dim3A_112 : vector<1x128xf32> to vector<10000x128xf32>
    %div3A_114 = arith.divf %sub3A_107, %div3A_113 : vector<10000x128xf32>
    %mul3A_115 = vector.broadcast %get3A_74 : vector<1x128xf32> to vector<10000x128xf32>
    %mul3A_116 = arith.mulf %div3A_114, %mul3A_115 : vector<10000x128xf32>
    %add3A_117 = vector.broadcast %get3A_77 : vector<1x128xf32> to vector<10000x128xf32>
    %add3A_118 = arith.addf %mul3A_116, %add3A_117 : vector<10000x128xf32>
    %max3A_119 = arith.constant 0.000000e+00 : f32
    %max3A_120 = vector.broadcast %max3A_119 : f32 to vector<10000x128xf32>
    %max3A_121 = arith.maximumf %add3A_118, %max3A_120 : vector<10000x128xf32>
    %add3A_122 = arith.addf %get3A_1, %max3A_121 : vector<10000x128xf32>
    %swap3A = arith.constant 0 : index
    %swap3A_123 = arith.constant 0 : index
    %swap3A_124 = vector.load %arg12[%swap3A, %swap3A_123] : memref<10000x128xf32, #tpu.memory_space<vmem>>, vector<10000x128xf32>
    tpu.vector_store %arg12[%swap3A, %swap3A_123], %add3A_122 {strides = array<i32>} : memref<10000x128xf32, #tpu.memory_space<vmem>>, vector<10000x128xf32>,
    return
  }
}

module attributes {stable_mosaic.version = 14 : i64} {
  func.func @_pool_body(%arg0: memref<10000x128xf32, #tpu.memory_space<vmem>>, %arg1: memref<10000x128xf32, #tpu.memory_space<vmem>>, %arg2: memref<10000x128xf32, #tpu.memory_space<vmem>>, %arg3: memref<10000x128xf32, #tpu.memory_space<vmem>>, %arg4: memref<10000x128xf32, #tpu.memory_space<vmem>>, %arg5: memref<1x10000xi32, #tpu.memory_space<vmem>>, %arg6: memref<5x128x40xf32, #tpu.memory_space<vmem>>, %arg7: memref<5x40xf32, #tpu.memory_space<vmem>>, %arg8: memref<64x40xf32, #tpu.memory_space<vmem>>) attributes {dimension_semantics = [], scalar_prefetch = 0 : i64, scratch_operands = 0 : i64, tpu.core_type = #tpu.core_type<tc>} {
    %broadcast_in_dim3A = arith.constant 0.000000e+00 : f32
    %broadcast_in_dim3A_0 = vector.broadcast %broadcast_in_dim3A : f32 to vector<10000x40xf32>
    %get3A = arith.constant 0 : index
    %get3A_1 = arith.constant 0 : index
    %get3A_2 = vector.load %arg0[%get3A, %get3A_1] : memref<10000x128xf32, #tpu.memory_space<vmem>>, vector<10000x128xf32>
    %get3A_3 = arith.constant 0 : index
    %get3A_4 = arith.constant 0 : index
    %get3A_5 = arith.constant 0 : index
    %get3A_6 = vector.load %arg6[%get3A_3, %get3A_4, %get3A_5] : memref<5x128x40xf32, #tpu.memory_space<vmem>>, vector<1x128x40xf32>
    %get3A_7 = vector.shape_cast %get3A_6 : vector<1x128x40xf32> to vector<128x40xf32>
    %dot_general3A = arith.constant dense<0.000000e+00> : vector<10000x40xf32>
    %dot_general3A_8 = tpu.matmul %get3A_2, %get3A_7, %dot_general3A {dimension_numbers = #tpu.dot_dimension_numbers<[1], [0], [0], [1], [0, 0, 1, 1], [], []>, transpose_lhs_hint = false} : vector<10000x128xf32>, vector<128x40xf32>, vector<10000x40xf32> -> vector<10000x40xf32>
    %add3A = arith.addf %broadcast_in_dim3A_0, %dot_general3A_8 : vector<10000x40xf32>
    %get3A_9 = arith.constant 0 : index
    %get3A_10 = arith.constant 0 : index
    %get3A_11 = vector.load %arg1[%get3A_9, %get3A_10] : memref<10000x128xf32, #tpu.memory_space<vmem>>, vector<10000x128xf32>
    %get3A_12 = arith.constant 1 : index
    %get3A_13 = arith.constant 0 : index
    %get3A_14 = arith.constant 0 : index
    %get3A_15 = vector.load %arg6[%get3A_12, %get3A_13, %get3A_14] : memref<5x128x40xf32, #tpu.memory_space<vmem>>, vector<1x128x40xf32>
    %get3A_16 = vector.shape_cast %get3A_15 : vector<1x128x40xf32> to vector<128x40xf32>
    %dot_general3A_17 = arith.constant dense<0.000000e+00> : vector<10000x40xf32>
    %dot_general3A_18 = tpu.matmul %get3A_11, %get3A_16, %dot_general3A_17 {dimension_numbers = #tpu.dot_dimension_numbers<[1], [0], [0], [1], [0, 0, 1, 1], [], []>, transpose_lhs_hint = false} : vector<10000x128xf32>, vector<128x40xf32>, vector<10000x40xf32> -> vector<10000x40xf32>
    %add3A_19 = arith.addf %add3A, %dot_general3A_18 : vector<10000x40xf32>
    %get3A_20 = arith.constant 0 : index
    %get3A_21 = arith.constant 0 : index
    %get3A_22 = vector.load %arg2[%get3A_20, %get3A_21] : memref<10000x128xf32, #tpu.memory_space<vmem>>, vector<10000x128xf32>
    %get3A_23 = arith.constant 2 : index
    %get3A_24 = arith.constant 0 : index
    %get3A_25 = arith.constant 0 : index
    %get3A_26 = vector.load %arg6[%get3A_23, %get3A_24, %get3A_25] : memref<5x128x40xf32, #tpu.memory_space<vmem>>, vector<1x128x40xf32>
    %get3A_27 = vector.shape_cast %get3A_26 : vector<1x128x40xf32> to vector<128x40xf32>
    %dot_general3A_28 = arith.constant dense<0.000000e+00> : vector<10000x40xf32>
    %dot_general3A_29 = tpu.matmul %get3A_22, %get3A_27, %dot_general3A_28 {dimension_numbers = #tpu.dot_dimension_numbers<[1], [0], [0], [1], [0, 0, 1, 1], [], []>, transpose_lhs_hint = false} : vector<10000x128xf32>, vector<128x40xf32>, vector<10000x40xf32> -> vector<10000x40xf32>
    %add3A_30 = arith.addf %add3A_19, %dot_general3A_29 : vector<10000x40xf32>
    %get3A_31 = arith.constant 0 : index
    %get3A_32 = arith.constant 0 : index
    %get3A_33 = vector.load %arg3[%get3A_31, %get3A_32] : memref<10000x128xf32, #tpu.memory_space<vmem>>, vector<10000x128xf32>
    %get3A_34 = arith.constant 3 : index
    %get3A_35 = arith.constant 0 : index
    %get3A_36 = arith.constant 0 : index
    %get3A_37 = vector.load %arg6[%get3A_34, %get3A_35, %get3A_36] : memref<5x128x40xf32, #tpu.memory_space<vmem>>, vector<1x128x40xf32>
    %get3A_38 = vector.shape_cast %get3A_37 : vector<1x128x40xf32> to vector<128x40xf32>
    %dot_general3A_39 = arith.constant dense<0.000000e+00> : vector<10000x40xf32>
    %dot_general3A_40 = tpu.matmul %get3A_33, %get3A_38, %dot_general3A_39 {dimension_numbers = #tpu.dot_dimension_numbers<[1], [0], [0], [1], [0, 0, 1, 1], [], []>, transpose_lhs_hint = false} : vector<10000x128xf32>, vector<128x40xf32>, vector<10000x40xf32> -> vector<10000x40xf32>
    %add3A_41 = arith.addf %add3A_30, %dot_general3A_40 : vector<10000x40xf32>
    %get3A_42 = arith.constant 0 : index
    %get3A_43 = arith.constant 0 : index
    %get3A_44 = vector.load %arg4[%get3A_42, %get3A_43] : memref<10000x128xf32, #tpu.memory_space<vmem>>, vector<10000x128xf32>
    %get3A_45 = arith.constant 4 : index
    %get3A_46 = arith.constant 0 : index
    %get3A_47 = arith.constant 0 : index
    %get3A_48 = vector.load %arg6[%get3A_45, %get3A_46, %get3A_47] : memref<5x128x40xf32, #tpu.memory_space<vmem>>, vector<1x128x40xf32>
    %get3A_49 = vector.shape_cast %get3A_48 : vector<1x128x40xf32> to vector<128x40xf32>
    %dot_general3A_50 = arith.constant dense<0.000000e+00> : vector<10000x40xf32>
    %dot_general3A_51 = tpu.matmul %get3A_44, %get3A_49, %dot_general3A_50 {dimension_numbers = #tpu.dot_dimension_numbers<[1], [0], [0], [1], [0, 0, 1, 1], [], []>, transpose_lhs_hint = false} : vector<10000x128xf32>, vector<128x40xf32>, vector<10000x40xf32> -> vector<10000x40xf32>
    %add3A_52 = arith.addf %add3A_41, %dot_general3A_51 : vector<10000x40xf32>
    %iota3A = tpu.iota {dimensions = array<i32: 0>} : vector<64x10000xi32>
    %get3A_53 = arith.constant 0 : index
    %get3A_54 = arith.constant 0 : index
    %get3A_55 = vector.load %arg5[%get3A_53, %get3A_54] : memref<1x10000xi32, #tpu.memory_space<vmem>>, vector<1x10000xi32>
    %broadcast_in_dim3A_56 = vector.shape_cast %get3A_55 : vector<1x10000xi32> to vector<1x10000xi32>
    %broadcast_in_dim3A_57 = vector.broadcast %broadcast_in_dim3A_56 : vector<1x10000xi32> to vector<64x10000xi32>
    %eq3A = arith.cmpi eq, %iota3A, %broadcast_in_dim3A_57 : vector<64x10000xi32>
    %convert_element_type3A = arith.extui %eq3A : vector<64x10000xi1> to vector<64x10000xi32>
    %convert_element_type3A_58 = arith.sitofp %convert_element_type3A : vector<64x10000xi32> to vector<64x10000xf32>
    %reduce_sum3A = arith.constant dense<0.000000e+00> : vector<64xf32>
    %reduce_sum3A_59 = vector.multi_reduction <add>, %convert_element_type3A_58, %reduce_sum3A [1] : vector<64x10000xf32> to vector<64xf32>
    %broadcast_in_dim3A_60 = vector.shape_cast %reduce_sum3A_59 : vector<64xf32> to vector<64x1xf32>
    %dot_general3A_61 = arith.constant dense<0.000000e+00> : vector<64x40xf32>
    %dot_general3A_62 = tpu.matmul %convert_element_type3A_58, %add3A_52, %dot_general3A_61 {dimension_numbers = #tpu.dot_dimension_numbers<[1], [0], [0], [1], [0, 0, 1, 1], [], []>, transpose_lhs_hint = false} : vector<64x10000xf32>, vector<10000x40xf32>, vector<64x40xf32> -> vector<64x40xf32>
    %max3A = arith.constant 1.000000e+00 : f32
    %max3A_63 = vector.broadcast %max3A : f32 to vector<64x1xf32>
    %max3A_64 = arith.maximumf %broadcast_in_dim3A_60, %max3A_63 : vector<64x1xf32>
    %div3A = vector.broadcast %max3A_64 : vector<64x1xf32> to vector<64x40xf32>
    %div3A_65 = arith.divf %dot_general3A_62, %div3A : vector<64x40xf32>
    %get3A_66 = arith.constant 0 : index
    %get3A_67 = arith.constant 0 : index
    %get3A_68 = vector.load %arg7[%get3A_66, %get3A_67] : memref<5x40xf32, #tpu.memory_space<vmem>>, vector<5x40xf32>
    %reduce_sum3A_69 = arith.constant dense<0.000000e+00> : vector<40xf32>
    %reduce_sum3A_70 = vector.multi_reduction <add>, %get3A_68, %reduce_sum3A_69 [0] : vector<5x40xf32> to vector<40xf32>
    %broadcast_in_dim3A_71 = vector.shape_cast %reduce_sum3A_70 : vector<40xf32> to vector<1x40xf32>
    %add3A_72 = vector.broadcast %broadcast_in_dim3A_71 : vector<1x40xf32> to vector<64x40xf32>
    %add3A_73 = arith.addf %div3A_65, %add3A_72 : vector<64x40xf32>
    %swap3A = arith.constant 0 : index
    %swap3A_74 = arith.constant 0 : index
    %swap3A_75 = vector.load %arg8[%swap3A, %swap3A_74] : memref<64x40xf32, #tpu.memory_space<vmem>>, vector<64x40xf32>
    tpu.vector_store %arg8[%swap3A, %swap3A_74], %add3A_73 {strides = array<i32>} : memref<64x40xf32, #tpu.memory_space<vmem>>, vector<64x40xf32>,
    return
  }
}

</mosaic_0001>

<sc_bundles>
// kernel: kernel.12.cloned.1.call-start
scs
__scs_entry_jumppad:
0x0: {  	(pc) =	sbr.rel $0x88, $3  }
0x1: {  	(tag) =	ssettag $0x0;
	lr =	simm.s32 $0x1  }
0x2: {  	[smem:$0x3F91] =	sst lr;
	_ =	strace $0xD0000000  }
0x3: {  	_ = 	snop  }
0x4: {  	_ = 	snop  }
0x5: {  	_ = 	snop  }
0x6: {  	_ = 	snop  }
0x7: {  	_ = 	snop  }
__scs_overlays_trampoline_lowered:
0x8: {  	[smem:$0x3FA0] =	sst s0  }
0x9: {  	[smem:$0x3FA1] =	sst s1  }
0xa: {  	[smem:$0x3FA2] =	sst s2  }
0xb: {  	[smem:$0x3FA3] =	sst s3  }
0xc: {  	[smem:$0x3FA4] =	sst s4  }
0xd: {  	[smem:$0x3FA5] =	sst s5  }
0xe: {  	[smem:$0x3FA6] =	sst s6  }
0xf: {  	[smem:$0x3FA7] =	sst s7  }
0x10: {  	[smem:$0x3FA8] =	sst s8  }
0x11: {  	[smem:$0x3FA9] =	sst s9;
	s0 =	simm.s32 @!p0 $0x0  }
0x12: {  	s1 =	sld [smem:$0x3F8F];
	s0 =	simm.s32 @p0 $0x1  }
0x13: {  	[smem:$0x3FAA] =	sst s0;
	s0 =	simm.s32 @!p1 $0x0  }
0x14: {  	s2 =	sld [smem:$0x3F8E];
	s0 =	simm.s32 @p1 $0x1  }
0x15: {  	[smem:$0x3FAB] =	sst s0;
	s0 =	simm.s32 @!p2 $0x0  }
0x16: {  	s3 =	sld [smem:$0x3FDB];
	s0 =	simm.s32 @p2 $0x1  }
0x17: {  	s4 =	simm.s32 $0x1BF5;
	[smem:$0x3FAD] =	sst s0  }
0x18: {  	s0 =	sld [smem:$0x3F90];
	_ =	swait.ge [sflag:s4], $0x0  }
0x19: {  	s7 =	sld [smem:$0x3F91]  }
0x1a: {  	s8 =	sadd.s32 $0xFFFFE003, lr  }
0x1b: {  	s9 =	sadd.s32 $0xFFFFFEF7, lr;
	s5 =	simm.s32 $0xFFFFFFFF;
	p2 =	slt.u32 s8, $0xFFFFF086  }
0x1c: {  	p1 =	slt.u32 s9, $0xF7A;
	s5 =	simm.s32 @!p2 $0x0  }
0x1d: {  	s5 =	simm.s32 @p1 $0x1;
	p0 =	seq.s32 s7, s2  }
0x1e: {  	s7 =	smul.u32 @!p0 $0xF7A, s2;
	p2 =	seq.s32 @!p0 s5, $0x0  }
0x1f: {  	s9 =	smul.u32 $0xF7A, s1;
	s8 =	simm.s32 @!p0 $0x1BF5;
	p2 =	por !p2, p0  }
0x20: {  	[sflag:s8] =	ssyncset.s32 @!p0 $0xFFFFF086;
	s6 =	sadd.s32 @!p0 s3, s7;
	s7 =	simm.s32 @!p0 $0x108  }
0x21: {  	s3 =	sadd.s32 s3, s9;
	s6 =	sadd.s32 @!p0 $0x88, s6;
	s7 =	simm.s32 @p2 $0x1082  }
0x22: {  	[simem:s7], [sflag:s8] =	dma.local @!p0 [hbm:s6], $0xF7A  }
0x23: {  	s9 =	sor.u32 $0xD0000000, s2;
	s6 =	simm.s32 $0x108;
	_ =	swait.ge @!p0 [sflag:s8], $0x0  }
0x24: {  	s3 =	sadd.s32 $0x88, s3;
	s6 =	simm.s32 @!p1 $0x1082;
	[sflag:s4] =	ssyncset.s32 $0xFFFFF086  }
0x25: {  	[simem:s6], [sflag:s4] =	dma.local [hbm:s3], $0xF7A  }
0x26: {  	[smem:$0x3F91] =	sst s1;
	(tag) =	ssettag s2;
	_ =	strace s9  }
0x27: {  	s1 =	sld [smem:$0x3FA1]  }
0x28: {  	s2 =	sld [smem:$0x3FA2]  }
0x29: {  	s4 =	sld [smem:$0x3FA4]  }
0x2a: {  	p0 =	seq.s32 s5, $0x0;
	s5 =	sld [smem:$0x3FA5]  }
0x2b: {  	s6 =	sld [smem:$0x3FA6]  }
0x2c: {  	s7 =	sld [smem:$0x3FA7]  }
0x2d: {  	s3 =	simm.s32 $0x108;
	s8 =	sld [smem:$0x3FA8]  }
0x2e: {  	s3 =	simm.s32 @!p0 $0x1082;
	s9 =	sld [smem:$0x3FA9]  }
0x2f: {  	lr =	sadd.s32 s0, s3;
	s0 =	sld [smem:$0x3FA0]  }
0x30: {  	s3 =	sld [smem:$0x3FA3]  }
0x31: {  	[smem:$0x3FAC] =	sst s10  }
0x32: {  	s10 =	sld [smem:$0x3FAA];
	_ =	sdelay $0x3  }
0x33: {  	p0 =	seq.s32 s10, $0x1;
	s10 =	sld [smem:$0x3FAC];
	_ =	sdelay $0x3  }
0x34: {  	[smem:$0x3FAC] =	sst s10  }
0x35: {  	s10 =	sld [smem:$0x3FAB];
	_ =	sdelay $0x3  }
0x36: {  	p1 =	seq.s32 s10, $0x1;
	s10 =	sld [smem:$0x3FAC];
	_ =	sdelay $0x3  }
0x37: {  	[smem:$0x3FAC] =	sst s10  }
0x38: {  	s10 =	sld [smem:$0x3FAD]  }
0x39: {  	_ = 	snop;
	(pc) =	sbr.ind lr, $3  }
0x3a: {  	_ = 	snop  }
0x3b: {  	_ = 	snop  }
0x3c: {  	p2 =	seq.s32 s10, $0x1;
	s10 =	sld [smem:$0x3FAC]  }
0x3d: {  	_ =	shalt  }
0x3e: {  	_ =	shalt  }
0x3f: {  	_ =	shalt  }
0x40: {  	_ =	shalt  }
0x41: {  	_ =	shalt  }
0x42: {  	_ =	shalt  }
0x43: {  	_ =	shalt  }
0x44: {  	_ =	shalt  }
0x45: {  	_ =	shalt  }
0x46: {  	_ =	shalt  }
0x47: {  	_ =	shalt  }
0x48: {  	_ =	shalt  }
0x49: {  	_ =	shalt  }
0x4a: {  	_ =	shalt  }
0x4b: {  	_ =	shalt  }
0x4c: {  	_ =	shalt  }
0x4d: {  	_ =	shalt  }
0x4e: {  	_ =	shalt  }
0x4f: {  	_ =	shalt  }
0x50: {  	_ =	shalt  }
0x51: {  	_ =	shalt  }
0x52: {  	_ =	shalt  }
0x53: {  	_ =	shalt  }
0x54: {  	_ =	shalt  }
0x55: {  	_ =	shalt  }
0x56: {  	_ =	shalt  }
0x57: {  	_ =	shalt  }
0x58: {  	_ =	shalt  }
0x59: {  	_ =	shalt  }
0x5a: {  	_ =	shalt  }
0x5b: {  	_ =	shalt  }
0x5c: {  	_ =	shalt  }
0x5d: {  	_ =	shalt  }
0x5e: {  	_ =	shalt  }
0x5f: {  	_ =	shalt  }
0x60: {  	_ =	shalt  }
0x61: {  	_ =	shalt  }
0x62: {  	_ =	shalt  }
0x63: {  	_ =	shalt  }
0x64: {  	_ =	shalt  }
0x65: {  	_ =	shalt  }
0x66: {  	_ =	shalt  }
0x67: {  	_ =	shalt  }
0x68: {  	_ =	shalt  }
0x69: {  	_ =	shalt  }
0x6a: {  	_ =	shalt  }
0x6b: {  	_ =	shalt  }
0x6c: {  	_ =	shalt  }
0x6d: {  	_ =	shalt  }
0x6e: {  	_ =	shalt  }
0x6f: {  	_ =	shalt  }
0x70: {  	_ =	shalt  }
0x71: {  	_ =	shalt  }
0x72: {  	_ =	shalt  }
0x73: {  	_ =	shalt  }
0x74: {  	_ =	shalt  }
0x75: {  	_ =	shalt  }
0x76: {  	_ =	shalt  }
0x77: {  	_ =	shalt  }
0x78: {  	_ =	shalt  }
0x79: {  	_ =	shalt  }
0x7a: {  	_ =	shalt  }
0x7b: {  	_ =	shalt  }
0x7c: {  	_ =	shalt  }
0x7d: {  	_ =	shalt  }
0x7e: {  	_ =	shalt  }
0x7f: {  	_ =	shalt  }
0x80: {  	_ =	shalt  }
0x81: {  	_ =	shalt  }
0x82: {  	_ =	shalt  }
0x83: {  	_ =	shalt  }
0x84: {  	_ =	shalt  }
0x85: {  	_ =	shalt  }
0x86: {  	_ =	shalt  }
0x87: {  	_ =	shalt  }
.Lfunc_end0:
.L_simem_size_0:
called_computation_lowered:
.L_overlay_start_0:
0x88: {  	s2 =	sld [smem:$0x3FD9]  }
0x89: {  	s3 =	sld [smem:$0x3FFE];
	_ =	sdelay $0x1  }
0x8a: {  	s1 =	srdreg.scid  }
0x8b: {  	s0 =	sand.u32 $0x1, s1  }
0x8c: {  	s16 =	sshll.u32 s0, $0xA;
	s2 =	sadd.s32 s3, s2  }
0x8d: {  	s2 =	sadd.s32 s2, s16  }
0x8e: {  	[smem:$0x3FB8] =	sst s2  }
0x8f: {  	_ = 	snop  }
0x90: {  	(tm) =	ssettm $0x1  }
0x91: {  	s17 =	sld [smem:$0x3FFB];
	_ =	sdelay $0x3  }
0x92: {  	_ =	strace s17  }
0x93: {  	s2 =	sld [smem:$0x3FFC];
	_ =	sdelay $0x3  }
0x94: {  	_ =	strace s2  }
0x95: {  	s2 =	sld [smem:$0x3FFD];
	_ =	sdelay $0x3  }
0x96: {  	_ =	strace s2  }
0x97: {  	_ =	strace $0x8FFFFFFF  }
0x98: {  	s18 =	sld [smem:$0x3FDB];
	_ =	sdelay $0x1  }
0x99: {  	s19 =	simm.s32 $_scs_section_size  }
0x9a: {  	s4 =	simm.s32 $_size__tile_overlayer_lowered;
	s5 =	simm.s32 $_tile_overlayer_lowered  }
0x9b: {  	s22 =	simm.s32 $0x1BFF;
	s21 =	sshll.u32 s5, $0x1;
	s2 =	sadd.s32 s19, s18  }
0x9c: {  	s6 =	simm.s32 $0x0;
	s20 =	sshll.u32 s4, $0x1;
	s4 =	sadd.s32 s21, s2  }
0x9d: {  	[timem:s6], [sflag:s22] =	dma.local [hbm:s4], s20  }
0x9e: {  	_ =	swait.ge [sflag:s22], s20  }
0x9f: {  	s3 =	ssub.s32 $0x0, s20;
	[sflag:s22] =	ssyncset.done $0x0  }
0xa0: {  	[sflag:s22] =	ssyncadd.s32 s3;
	_ =	sdelay $0x1  }
0xa1: {  	s23 =	simm.s32 $0x1B8B  }
0xa2: {  	_ =	swait.ge [sflag:s23], $0x1  }
0xa3: {  	[sflag:s23] =	ssyncset.done $0x0  }
0xa4: {  	s25 =	simm.s32 $0x1B8E;
	s24 =	sld [smem:$0x3FFE];
	[sflag:s23] =	ssyncadd.s32 $0xFFFFFFFF  }
0xa5: {  	s26 =	simm.s32 $execute0_lowered;
	[smem:$0x3FD2] =	sst s25  }
0xa6: {  	s4 =	sshll.u32 s26, $0x1;
	_ =	strace $0x80000046;
	[dreg:$0x1] =	wrdreg $0xFFFFFFFF  }
0xa7: {  	s28 =	simm.s32 $_size_execute0_lowered;
	s2 =	sadd.s32 s2, s4;
	[dreg:$0x0] =	wrdreg $0x0  }
0xa8: {  	s4 =	sshll.u32 s28, $0x1;
	[dreg:$0x2] =	wrdreg s2  }
0xa9: {  	[dreg:$0x3] =	wrdreg s4  }
0xaa: {  	[dreg:$0x4] =	wrdreg $0xC0  }
0xab: {  	_ =	task [dreg:s6], $0x5FFFF  }
0xac: {  	[dreg:$0x1] =	wrdreg $0xFFFFFFFF  }
0xad: {  	[dreg:$0x0] =	wrdreg $0x60  }
0xae: {  	[dreg:$0x2] =	wrdreg s24  }
0xaf: {  	[dreg:$0x3] =	wrdreg $0xA8000  }
0xb0: {  	[dreg:$0x4] =	wrdreg $0x9  }
0xb1: {  	_ =	task.clear_ibuf [dreg:s6], $0x5FFFF;
	_ =	strace $0x90000046  }
0xb2: {  	s29 =	simm.s32 $0x9;
	_ =	strace $0x80000048  }
0xb3: {  	_ =	swait.ge [sflag:s29], $0x1  }
0xb4: {  	[sflag:s29] =	ssyncadd.s32 $0xFFFFFFFF  }
0xb5: {  	_ =	strace $0x90000048  }
0xb6: {  	_ =	sfence  }
0xb7: {  	s30 =	sld [smem:$0x0];
	_ =	sdelay $0x2  }
0xb8: {  	s31 =	sshll.u32 s1, $0xD;
	s1 =	sshrl.u32 s1, $0x2  }
0xb9: {  	s3 =	sand.u32 $0x4000, s31;
	s1 =	sadd.s32 s1, s30  }
0xba: {  	s0 =	sor.u32 s3, s0;
	s1 =	sshll.u32 s1, $0x11  }
0xbb: {  	s0 =	sor.u32 s1, s0  }
0xbc: {  	s0 =	sadd.s32 $0x8F2B, s0  }
0xbd: {  	[sflag:s0] =	ssyncadd.remote.s32 $0x1  }
0xbe: {  	_ =	sfence.sel $0xFFFF  }
0xbf: {  	[dreg:$0x0] =	wrdreg $0xFFFFFFFF;
	(pc) =	sbr.abs _section_cstart, $3  }
0xc0: {  	[dreg:$0x1] =	wrdreg $0xFFFFFFFF  }
0xc1: {  	_ =	task.clear_ibuf [dreg:s6], $0x2FFFF;
	_ =	strace $0x9FFFFFFF  }
0xc2: {  	(tm) =	ssettm $0x7FFFFFFF  }
0xc3: {  	_ =	shalt  }
tec
execute0_lowered:
.L_overlay_start_1:
0x0: {  	(tag) =	ssettag $0x1  }
0x1: {  	s1 =	srdreg.scid;
	s5 =	rddreg [dreg:$0x0]  }
0x2: {  	s0 =	stileid.u32;
	s2 =	rddreg [dreg:$0x1];
	s3 =	simm.s32 $0x0  }
0x3: {  	s14 =	simm.s32 $0x80;
	s15 =	simm.s32 $0x6800;
	s4 =	smul.u32 $0x6800, s0  }
0x4: {  	s16 =	simm.s32 $0x1;
	s17 =	simm.s32 $0x0;
	s25 =	smul.u32 $0x13C00, s0  }
0x5: {  	s9 =	sand.u32 $0x1, s1;
	s1 =	rddreg [dreg:$0x2];
	s28 =	smul.u32 $0x4F000, s0  }
0x6: {  	[smem:$0x7FF] =	sst s3;
	s31 =	sshll.u32 s0, $0x6;
	s6 =	smul.u32 $0x3400, s9  }
0x7: {  	s8 =	smul.u32 $0x13C000, s9;
	_ =	strace $0x80000047;
	s11 =	ssub.s32 $0x2, s9  }
0x8: {  	p0 =	seq.s32 s9, $0x0;
	s9 =	simm.s32 $0x66;
	s26 =	sshrl.u32 s25, $0x3  }
0x9: {  	s29 =	sshrl.u32 s11, $0x1;
	s30 =	sshrl.u32 s28, $0x2;
	s9 =	simm.s32 @!p0 $0x37  }
0xa: {  	s4 =	sadd.s32 s6, s4;
	s6 =	sadd.s32 s25, s8;
	s11 =	ssub.s32 s11, s29  }
0xb: {  	s13 =	sadd.s32 s30, s2;
	s7 =	sshrl.u32 s4, $0x3;
	s4 =	sadd.s32 $0x6600, s5  }
0xc: {  	s6 =	sshrl.u32 s6, $0x3;
	s11 =	smax.u32 s11, $0x1;
	s10 =	sadd.s32 s7, s5  }
0xd: {  	s7 =	sadd.s32 s26, s5;
	s12 =	sadd.s32 s6, s5;
	s6 =	sor.u32 $0x1C02, s31  }
0xe: {  	s5 =	sadd.s32 $0x47800, s7;
	s7 =	sadd.s32 $0x2D800, s10;
	s8 =	sadd.s32 $0x3A800, s10  }
0xf: {  	s10 =	sadd.s32 $0x6F000, s12;
	s12 =	sshrl.u32 s13, $0x3;
	s13 =	simm.s32 $0x2  }
.LBB2_1:
0x10: {  	[spmem:s12], [sflag:s6] =	dma.local [hbm:s5], $0x2780  }
0x11: {  	_ =	swait.ge [sflag:s13], $0x2780  }
0x12: {  	[sflag:s13] =	ssyncset.done $0x0  }
0x13: {  	[sflag:s13] =	ssyncadd.s32 $0xFFFFD880  }
0x14: {  	[tilespmem:s3], [sflag:$0x2] =	stream.linear.gather [hbm4b:s7+s3], $0x3300, $0x38;
	[tilespmem:$0x1E400] =	vst v63  }
0x15: {  	_ =	swait.ge [sflag:s13], $0x3300  }
0x16: {  	[sflag:s13] =	ssyncset.done $0x0  }
0x17: {  	s18 =	simm.s32 $0x3400;
	[sflag:s13] =	ssyncadd.s32 $0xFFFFCD00  }
0x18: {  	[tilespmem:s18], [sflag:$0x2] =	stream.linear.gather [hbm4b:s8+s3], $0x3300, $0x38;
	[tilespmem:$0x1E400] =	vst v63  }
0x19: {  	_ =	swait.ge [sflag:s13], $0x3300  }
0x1a: {  	[sflag:s13] =	ssyncset.done $0x0  }
0x1b: {  	[sflag:s13] =	ssyncadd.s32 $0xFFFFCD00  }
0x1c: {  	[bflag:$0x0] =	sbarrier.arrive $0xFFFF  }
0x1d: {  	[tilespmem:s15], [sflag:$0x1] =	stream.indirect.gather [hbm4b:s4+s14], $0x80, s3, s14, $0xb8;
	[tilespmem:$0x1E400] =	vst v63  }
0x1e: {  	p0 =	sne.s32 s9, $0x1;
	_ =	swait.ge [sflag:s16], $0x4000  }
.Ltmp0:
0x1f: {  	[sflag:s16] =	ssyncset.done $0x0;
	(pc) =	sbr.rel @!p0 .LBB2_3-.Ltmp0, $4  }
0x20: {  	[sflag:s16] =	ssyncadd.s32 $0xFFFFC000  }
0x21: {  	[spmem:s2] =	stream.indirect.scatter.add.f32 [tilespmem:s15], [sflag:$0x2], $0x80, s18, s14, $0xb8;
	[tilespmem:$0x1E400] =	vst v63  }
0x22: {  	_ =	swait.ge [sflag:s13], $0x4000  }
0x23: {  	s19 =	sadd.s32 $0xFFFFFFFF, s9;
	s20 =	simm.s32 $0x0;
	[sflag:s13] =	ssyncset.done $0x0  }
.LBB2_2:
0x24: {  	[sflag:s13] =	ssyncadd.s32 $0xFFFFC000;
	s20 =	sadd.s32 $0x80, s20;
	s18 =	sadd.s32 $0x80, s18  }
0x25: {  	[tilespmem:s15], [sflag:$0x1] =	stream.indirect.gather [hbm4b:s4+s14], $0x80, s20, s14, $0xb8;
	[tilespmem:$0x1E400] =	vst v63  }
0x26: {  	p0 =	sne.s32 s19, $0x1;
	s19 =	sadd.s32 $0xFFFFFFFF, s19;
	_ =	swait.ge [sflag:s16], $0x4000  }
.Ltmp1:
0x27: {  	[sflag:s16] =	ssyncset.done $0x0;
	(pc) =	sbr.rel @p0 .LBB2_2-.Ltmp1, $4  }
0x28: {  	[sflag:s16] =	ssyncadd.s32 $0xFFFFC000  }
0x29: {  	[spmem:s2] =	stream.indirect.scatter.add.f32 [tilespmem:s15], [sflag:$0x2], $0x80, s18, s14, $0xb8;
	[tilespmem:$0x1E400] =	vst v63  }
0x2a: {  	_ =	swait.ge [sflag:s13], $0x4000  }
0x2b: {  	[sflag:s13] =	ssyncset.done $0x0  }
.LBB2_3:
0x2c: {  	s17 =	sadd.s32 $0x1, s17  }
0x2d: {  	[sflag:s13] =	ssyncadd.s32 $0xFFFFC000;
	p0 =	sne.s32 s17, s11  }
.Ltmp2:
0x2e: {  	[bflag:$0x0] =	sbarrier.arrive $0xFFFF;
	(pc) =	sbr.rel @p0 .LBB2_1-.Ltmp2, $4  }
0x2f: {  	[hbm:s10], [sflag:s6] =	dma.local [spmem:s12], $0x2780  }
0x30: {  	_ =	swait.ge [sflag:s13], $0x2780  }
0x31: {  	[sflag:s13] =	ssyncset.done $0x0  }
0x32: {  	[sflag:s13] =	ssyncadd.s32 $0xFFFFD880  }
0x33: {  	_ =	sfence.sel $0x180000  }
0x34: {  	[bflag:$0x0] =	sbarrier.arrive $0xFFFF  }
0x35: {  	p0 =	sne.s32 s0, $0x0;
	_ =	strace $0x90000047  }
0x36: {  	s0 =	sadd.s32 @!p0 $0x100000, s1;
	[bflag:$0x2] =	sbarrier.arrive $0xFFFF  }
0x37: {  	[sflag:s0] =	ssyncadd.tile.s32 @!p0 $0x1;
	_ =	shalt  }
.Lfunc_end2:
_tile_overlayer_lowered:
.L_overlay_start_2:
0x38: {  	(tag) =	ssettag $0x2  }
0x39: {  	s0 =	rddreg [dreg:$0x0];
	s2 =	stileid.u32  }
0x3a: {  	s1 =	rddreg [dreg:$0x1];
	p0 =	sne.s32 s2, $0x0  }
0x3b: {  	s3 =	rddreg [dreg:$0x2];
	[bflag:$0x3] =	sbarrier.arrive $0xFFFF;
	s2 =	simm.s32 @!p0 $0x1C02  }
0x3c: {  	[timem:s3], [sflag:s2] =	dma.local @!p0 [hbm:s0], s1  }
0x3d: {  	s0 =	simm.s32 @!p0 $0x2  }
0x3e: {  	_ =	swait.ge @!p0 [sflag:s0], s1  }
0x3f: {  	s1 =	ssub.s32 @!p0 $0x0, s1;
	[sflag:s0] =	ssyncset.done @!p0 $0x0  }
0x40: {  	[sflag:s0] =	ssyncadd.s32 @!p0 s1  }
0x41: {  	[bflag:$0x3] =	sbarrier.arrive $0xFFFF  }
0x42: {  	_ =	shalt  }

// kernel: kernel.15.cloned.1.call-start
scs
__scs_entry_jumppad:
0x0: {  	(pc) =	sbr.rel $0x88, $3  }
0x1: {  	(tag) =	ssettag $0x0;
	lr =	simm.s32 $0x1  }
0x2: {  	[smem:$0x3F91] =	sst lr;
	_ =	strace $0xD0000000  }
0x3: {  	_ = 	snop  }
0x4: {  	_ = 	snop  }
0x5: {  	_ = 	snop  }
0x6: {  	_ = 	snop  }
0x7: {  	_ = 	snop  }
__scs_overlays_trampoline_lowered:
0x8: {  	[smem:$0x3FA0] =	sst s0  }
0x9: {  	[smem:$0x3FA1] =	sst s1  }
0xa: {  	[smem:$0x3FA2] =	sst s2  }
0xb: {  	[smem:$0x3FA3] =	sst s3  }
0xc: {  	[smem:$0x3FA4] =	sst s4  }
0xd: {  	[smem:$0x3FA5] =	sst s5  }
0xe: {  	[smem:$0x3FA6] =	sst s6  }
0xf: {  	[smem:$0x3FA7] =	sst s7  }
0x10: {  	[smem:$0x3FA8] =	sst s8  }
0x11: {  	[smem:$0x3FA9] =	sst s9;
	s0 =	simm.s32 @!p0 $0x0  }
0x12: {  	s1 =	sld [smem:$0x3F8F];
	s0 =	simm.s32 @p0 $0x1  }
0x13: {  	[smem:$0x3FAA] =	sst s0;
	s0 =	simm.s32 @!p1 $0x0  }
0x14: {  	s2 =	sld [smem:$0x3F8E];
	s0 =	simm.s32 @p1 $0x1  }
0x15: {  	[smem:$0x3FAB] =	sst s0;
	s0 =	simm.s32 @!p2 $0x0  }
0x16: {  	s3 =	sld [smem:$0x3FDB];
	s0 =	simm.s32 @p2 $0x1  }
0x17: {  	s4 =	simm.s32 $0x1BF5;
	[smem:$0x3FAD] =	sst s0  }
0x18: {  	s0 =	sld [smem:$0x3F90];
	_ =	swait.ge [sflag:s4], $0x0  }
0x19: {  	s7 =	sld [smem:$0x3F91]  }
0x1a: {  	s8 =	sadd.s32 $0xFFFFE003, lr  }
0x1b: {  	s9 =	sadd.s32 $0xFFFFFEF7, lr;
	s5 =	simm.s32 $0xFFFFFFFF;
	p2 =	slt.u32 s8, $0xFFFFF086  }
0x1c: {  	p1 =	slt.u32 s9, $0xF7A;
	s5 =	simm.s32 @!p2 $0x0  }
0x1d: {  	s5 =	simm.s32 @p1 $0x1;
	p0 =	seq.s32 s7, s2  }
0x1e: {  	s7 =	smul.u32 @!p0 $0xF7A, s2;
	p2 =	seq.s32 @!p0 s5, $0x0  }
0x1f: {  	s9 =	smul.u32 $0xF7A, s1;
	s8 =	simm.s32 @!p0 $0x1BF5;
	p2 =	por !p2, p0  }
0x20: {  	[sflag:s8] =	ssyncset.s32 @!p0 $0xFFFFF086;
	s6 =	sadd.s32 @!p0 s3, s7;
	s7 =	simm.s32 @!p0 $0x108  }
0x21: {  	s3 =	sadd.s32 s3, s9;
	s6 =	sadd.s32 @!p0 $0x88, s6;
	s7 =	simm.s32 @p2 $0x1082  }
0x22: {  	[simem:s7], [sflag:s8] =	dma.local @!p0 [hbm:s6], $0xF7A  }
0x23: {  	s9 =	sor.u32 $0xD0000000, s2;
	s6 =	simm.s32 $0x108;
	_ =	swait.ge @!p0 [sflag:s8], $0x0  }
0x24: {  	s3 =	sadd.s32 $0x88, s3;
	s6 =	simm.s32 @!p1 $0x1082;
	[sflag:s4] =	ssyncset.s32 $0xFFFFF086  }
0x25: {  	[simem:s6], [sflag:s4] =	dma.local [hbm:s3], $0xF7A  }
0x26: {  	[smem:$0x3F91] =	sst s1;
	(tag) =	ssettag s2;
	_ =	strace s9  }
0x27: {  	s1 =	sld [smem:$0x3FA1]  }
0x28: {  	s2 =	sld [smem:$0x3FA2]  }
0x29: {  	s4 =	sld [smem:$0x3FA4]  }
0x2a: {  	p0 =	seq.s32 s5, $0x0;
	s5 =	sld [smem:$0x3FA5]  }
0x2b: {  	s6 =	sld [smem:$0x3FA6]  }
0x2c: {  	s7 =	sld [smem:$0x3FA7]  }
0x2d: {  	s3 =	simm.s32 $0x108;
	s8 =	sld [smem:$0x3FA8]  }
0x2e: {  	s3 =	simm.s32 @!p0 $0x1082;
	s9 =	sld [smem:$0x3FA9]  }
0x2f: {  	lr =	sadd.s32 s0, s3;
	s0 =	sld [smem:$0x3FA0]  }
0x30: {  	s3 =	sld [smem:$0x3FA3]  }
0x31: {  	[smem:$0x3FAC] =	sst s10  }
0x32: {  	s10 =	sld [smem:$0x3FAA];
	_ =	sdelay $0x3  }
0x33: {  	p0 =	seq.s32 s10, $0x1;
	s10 =	sld [smem:$0x3FAC];
	_ =	sdelay $0x3  }
0x34: {  	[smem:$0x3FAC] =	sst s10  }
0x35: {  	s10 =	sld [smem:$0x3FAB];
	_ =	sdelay $0x3  }
0x36: {  	p1 =	seq.s32 s10, $0x1;
	s10 =	sld [smem:$0x3FAC];
	_ =	sdelay $0x3  }
0x37: {  	[smem:$0x3FAC] =	sst s10  }
0x38: {  	s10 =	sld [smem:$0x3FAD]  }
0x39: {  	_ = 	snop;
	(pc) =	sbr.ind lr, $3  }
0x3a: {  	_ = 	snop  }
0x3b: {  	_ = 	snop  }
0x3c: {  	p2 =	seq.s32 s10, $0x1;
	s10 =	sld [smem:$0x3FAC]  }
0x3d: {  	_ =	shalt  }
0x3e: {  	_ =	shalt  }
0x3f: {  	_ =	shalt  }
0x40: {  	_ =	shalt  }
0x41: {  	_ =	shalt  }
0x42: {  	_ =	shalt  }
0x43: {  	_ =	shalt  }
0x44: {  	_ =	shalt  }
0x45: {  	_ =	shalt  }
0x46: {  	_ =	shalt  }
0x47: {  	_ =	shalt  }
0x48: {  	_ =	shalt  }
0x49: {  	_ =	shalt  }
0x4a: {  	_ =	shalt  }
0x4b: {  	_ =	shalt  }
0x4c: {  	_ =	shalt  }
0x4d: {  	_ =	shalt  }
0x4e: {  	_ =	shalt  }
0x4f: {  	_ =	shalt  }
0x50: {  	_ =	shalt  }
0x51: {  	_ =	shalt  }
0x52: {  	_ =	shalt  }
0x53: {  	_ =	shalt  }
0x54: {  	_ =	shalt  }
0x55: {  	_ =	shalt  }
0x56: {  	_ =	shalt  }
0x57: {  	_ =	shalt  }
0x58: {  	_ =	shalt  }
0x59: {  	_ =	shalt  }
0x5a: {  	_ =	shalt  }
0x5b: {  	_ =	shalt  }
0x5c: {  	_ =	shalt  }
0x5d: {  	_ =	shalt  }
0x5e: {  	_ =	shalt  }
0x5f: {  	_ =	shalt  }
0x60: {  	_ =	shalt  }
0x61: {  	_ =	shalt  }
0x62: {  	_ =	shalt  }
0x63: {  	_ =	shalt  }
0x64: {  	_ =	shalt  }
0x65: {  	_ =	shalt  }
0x66: {  	_ =	shalt  }
0x67: {  	_ =	shalt  }
0x68: {  	_ =	shalt  }
0x69: {  	_ =	shalt  }
0x6a: {  	_ =	shalt  }
0x6b: {  	_ =	shalt  }
0x6c: {  	_ =	shalt  }
0x6d: {  	_ =	shalt  }
0x6e: {  	_ =	shalt  }
0x6f: {  	_ =	shalt  }
0x70: {  	_ =	shalt  }
0x71: {  	_ =	shalt  }
0x72: {  	_ =	shalt  }
0x73: {  	_ =	shalt  }
0x74: {  	_ =	shalt  }
0x75: {  	_ =	shalt  }
0x76: {  	_ =	shalt  }
0x77: {  	_ =	shalt  }
0x78: {  	_ =	shalt  }
0x79: {  	_ =	shalt  }
0x7a: {  	_ =	shalt  }
0x7b: {  	_ =	shalt  }
0x7c: {  	_ =	shalt  }
0x7d: {  	_ =	shalt  }
0x7e: {  	_ =	shalt  }
0x7f: {  	_ =	shalt  }
0x80: {  	_ =	shalt  }
0x81: {  	_ =	shalt  }
0x82: {  	_ =	shalt  }
0x83: {  	_ =	shalt  }
0x84: {  	_ =	shalt  }
0x85: {  	_ =	shalt  }
0x86: {  	_ =	shalt  }
0x87: {  	_ =	shalt  }
.Lfunc_end0:
.L_simem_size_0:
called_computation.1_lowered:
.L_overlay_start_0:
0x88: {  	s2 =	sld [smem:$0x3FD9]  }
0x89: {  	s3 =	sld [smem:$0x3FFE];
	_ =	sdelay $0x1  }
0x8a: {  	s1 =	srdreg.scid  }
0x8b: {  	s0 =	sand.u32 $0x1, s1  }
0x8c: {  	s16 =	sshll.u32 s0, $0xA;
	s2 =	sadd.s32 s3, s2  }
0x8d: {  	s2 =	sadd.s32 s2, s16  }
0x8e: {  	[smem:$0x3FB8] =	sst s2  }
0x8f: {  	_ = 	snop  }
0x90: {  	(tm) =	ssettm $0x1  }
0x91: {  	s17 =	sld [smem:$0x3FFB];
	_ =	sdelay $0x3  }
0x92: {  	_ =	strace s17  }
0x93: {  	s2 =	sld [smem:$0x3FFC];
	_ =	sdelay $0x3  }
0x94: {  	_ =	strace s2  }
0x95: {  	s2 =	sld [smem:$0x3FFD];
	_ =	sdelay $0x3  }
0x96: {  	_ =	strace s2  }
0x97: {  	_ =	strace $0x8FFFFFFF  }
0x98: {  	s18 =	sld [smem:$0x3FDB];
	_ =	sdelay $0x1  }
0x99: {  	s19 =	simm.s32 $_scs_section_size  }
0x9a: {  	s4 =	simm.s32 $_size__tile_overlayer_lowered;
	s5 =	simm.s32 $_tile_overlayer_lowered  }
0x9b: {  	s22 =	simm.s32 $0x1BFF;
	s21 =	sshll.u32 s5, $0x1;
	s2 =	sadd.s32 s19, s18  }
0x9c: {  	s6 =	simm.s32 $0x0;
	s20 =	sshll.u32 s4, $0x1;
	s4 =	sadd.s32 s21, s2  }
0x9d: {  	[timem:s6], [sflag:s22] =	dma.local [hbm:s4], s20  }
0x9e: {  	_ =	swait.ge [sflag:s22], s20  }
0x9f: {  	s3 =	ssub.s32 $0x0, s20;
	[sflag:s22] =	ssyncset.done $0x0  }
0xa0: {  	[sflag:s22] =	ssyncadd.s32 s3;
	_ =	sdelay $0x1  }
0xa1: {  	s23 =	simm.s32 $0x1B8B  }
0xa2: {  	_ =	swait.ge [sflag:s23], $0x1  }
0xa3: {  	[sflag:s23] =	ssyncset.done $0x0  }
0xa4: {  	s25 =	simm.s32 $0x1B8E;
	s24 =	sld [smem:$0x3FFE];
	[sflag:s23] =	ssyncadd.s32 $0xFFFFFFFF  }
0xa5: {  	s26 =	simm.s32 $execute0_lowered;
	[smem:$0x3FD2] =	sst s25  }
0xa6: {  	s4 =	sshll.u32 s26, $0x1;
	_ =	strace $0x80000049;
	[dreg:$0x1] =	wrdreg $0xFFFFFFFF  }
0xa7: {  	s28 =	simm.s32 $_size_execute0_lowered;
	s2 =	sadd.s32 s2, s4;
	[dreg:$0x0] =	wrdreg $0x0  }
0xa8: {  	s4 =	sshll.u32 s28, $0x1;
	[dreg:$0x2] =	wrdreg s2  }
0xa9: {  	[dreg:$0x3] =	wrdreg s4  }
0xaa: {  	[dreg:$0x4] =	wrdreg $0xC0  }
0xab: {  	_ =	task [dreg:s6], $0x5FFFF  }
0xac: {  	[dreg:$0x1] =	wrdreg $0xFFFFFFFF  }
0xad: {  	[dreg:$0x0] =	wrdreg $0x60  }
0xae: {  	[dreg:$0x2] =	wrdreg s24  }
0xaf: {  	[dreg:$0x3] =	wrdreg $0xA8000  }
0xb0: {  	[dreg:$0x4] =	wrdreg $0x9  }
0xb1: {  	_ =	task.clear_ibuf [dreg:s6], $0x5FFFF;
	_ =	strace $0x90000049  }
0xb2: {  	s29 =	simm.s32 $0x9;
	_ =	strace $0x8000004B  }
0xb3: {  	_ =	swait.ge [sflag:s29], $0x1  }
0xb4: {  	[sflag:s29] =	ssyncadd.s32 $0xFFFFFFFF  }
0xb5: {  	_ =	strace $0x9000004B  }
0xb6: {  	_ =	sfence  }
0xb7: {  	s30 =	sld [smem:$0x0];
	_ =	sdelay $0x2  }
0xb8: {  	s31 =	sshll.u32 s1, $0xD;
	s1 =	sshrl.u32 s1, $0x2  }
0xb9: {  	s3 =	sand.u32 $0x4000, s31;
	s1 =	sadd.s32 s1, s30  }
0xba: {  	s0 =	sor.u32 s3, s0;
	s1 =	sshll.u32 s1, $0x11  }
0xbb: {  	s0 =	sor.u32 s1, s0  }
0xbc: {  	s0 =	sadd.s32 $0x8F2B, s0  }
0xbd: {  	[sflag:s0] =	ssyncadd.remote.s32 $0x1  }
0xbe: {  	_ =	sfence.sel $0xFFFF  }
0xbf: {  	[dreg:$0x0] =	wrdreg $0xFFFFFFFF;
	(pc) =	sbr.abs _section_cstart, $3  }
0xc0: {  	[dreg:$0x1] =	wrdreg $0xFFFFFFFF  }
0xc1: {  	_ =	task.clear_ibuf [dreg:s6], $0x2FFFF;
	_ =	strace $0x9FFFFFFF  }
0xc2: {  	(tm) =	ssettm $0x7FFFFFFF  }
0xc3: {  	_ =	shalt  }
tec
execute0_lowered:
.L_overlay_start_1:
0x0: {  	(tag) =	ssettag $0x1  }
0x1: {  	s1 =	srdreg.scid;
	s5 =	rddreg [dreg:$0x0]  }
0x2: {  	s0 =	stileid.u32;
	s2 =	rddreg [dreg:$0x1];
	s3 =	simm.s32 $0x0  }
0x3: {  	s14 =	simm.s32 $0x80;
	s15 =	simm.s32 $0x6800;
	s4 =	smul.u32 $0x6800, s0  }
0x4: {  	s16 =	simm.s32 $0x1;
	s17 =	simm.s32 $0x0;
	s25 =	smul.u32 $0x13C00, s0  }
0x5: {  	s9 =	sand.u32 $0x1, s1;
	s1 =	rddreg [dreg:$0x2];
	s28 =	smul.u32 $0x4F000, s0  }
0x6: {  	[smem:$0x7FF] =	sst s3;
	s31 =	sshll.u32 s0, $0x6;
	s6 =	smul.u32 $0x3400, s9  }
0x7: {  	s8 =	smul.u32 $0x13C000, s9;
	_ =	strace $0x8000004A;
	s11 =	ssub.s32 $0x2, s9  }
0x8: {  	p0 =	seq.s32 s9, $0x0;
	s9 =	simm.s32 $0x66;
	s26 =	sshrl.u32 s25, $0x3  }
0x9: {  	s29 =	sshrl.u32 s11, $0x1;
	s30 =	sshrl.u32 s28, $0x2;
	s9 =	simm.s32 @!p0 $0x37  }
0xa: {  	s4 =	sadd.s32 s6, s4;
	s6 =	sadd.s32 s25, s8;
	s11 =	ssub.s32 s11, s29  }
0xb: {  	s13 =	sadd.s32 s30, s2;
	s7 =	sshrl.u32 s4, $0x3;
	s4 =	sadd.s32 $0x6600, s5  }
0xc: {  	s6 =	sshrl.u32 s6, $0x3;
	s11 =	smax.u32 s11, $0x1;
	s10 =	sadd.s32 s7, s5  }
0xd: {  	s7 =	sadd.s32 s26, s5;
	s12 =	sadd.s32 s6, s5;
	s6 =	sor.u32 $0x1C02, s31  }
0xe: {  	s5 =	sadd.s32 $0x47800, s7;
	s7 =	sadd.s32 $0x2D800, s10;
	s8 =	sadd.s32 $0x3A800, s10  }
0xf: {  	s10 =	sadd.s32 $0x6F000, s12;
	s12 =	sshrl.u32 s13, $0x3;
	s13 =	simm.s32 $0x2  }
.LBB2_1:
0x10: {  	[spmem:s12], [sflag:s6] =	dma.local [hbm:s5], $0x2780  }
0x11: {  	_ =	swait.ge [sflag:s13], $0x2780  }
0x12: {  	[sflag:s13] =	ssyncset.done $0x0  }
0x13: {  	[sflag:s13] =	ssyncadd.s32 $0xFFFFD880  }
0x14: {  	[tilespmem:s3], [sflag:$0x2] =	stream.linear.gather [hbm4b:s7+s3], $0x3300, $0x38;
	[tilespmem:$0x1E400] =	vst v63  }
0x15: {  	_ =	swait.ge [sflag:s13], $0x3300  }
0x16: {  	[sflag:s13] =	ssyncset.done $0x0  }
0x17: {  	s18 =	simm.s32 $0x3400;
	[sflag:s13] =	ssyncadd.s32 $0xFFFFCD00  }
0x18: {  	[tilespmem:s18], [sflag:$0x2] =	stream.linear.gather [hbm4b:s8+s3], $0x3300, $0x38;
	[tilespmem:$0x1E400] =	vst v63  }
0x19: {  	_ =	swait.ge [sflag:s13], $0x3300  }
0x1a: {  	[sflag:s13] =	ssyncset.done $0x0  }
0x1b: {  	[sflag:s13] =	ssyncadd.s32 $0xFFFFCD00  }
0x1c: {  	[bflag:$0x0] =	sbarrier.arrive $0xFFFF  }
0x1d: {  	[tilespmem:s15], [sflag:$0x1] =	stream.indirect.gather [hbm4b:s4+s14], $0x80, s3, s14, $0xb8;
	[tilespmem:$0x1E400] =	vst v63  }
0x1e: {  	p0 =	sne.s32 s9, $0x1;
	_ =	swait.ge [sflag:s16], $0x4000  }
.Ltmp0:
0x1f: {  	[sflag:s16] =	ssyncset.done $0x0;
	(pc) =	sbr.rel @!p0 .LBB2_3-.Ltmp0, $4  }
0x20: {  	[sflag:s16] =	ssyncadd.s32 $0xFFFFC000  }
0x21: {  	[spmem:s2] =	stream.indirect.scatter.add.f32 [tilespmem:s15], [sflag:$0x2], $0x80, s18, s14, $0xb8;
	[tilespmem:$0x1E400] =	vst v63  }
0x22: {  	_ =	swait.ge [sflag:s13], $0x4000  }
0x23: {  	s19 =	sadd.s32 $0xFFFFFFFF, s9;
	s20 =	simm.s32 $0x0;
	[sflag:s13] =	ssyncset.done $0x0  }
.LBB2_2:
0x24: {  	[sflag:s13] =	ssyncadd.s32 $0xFFFFC000;
	s20 =	sadd.s32 $0x80, s20;
	s18 =	sadd.s32 $0x80, s18  }
0x25: {  	[tilespmem:s15], [sflag:$0x1] =	stream.indirect.gather [hbm4b:s4+s14], $0x80, s20, s14, $0xb8;
	[tilespmem:$0x1E400] =	vst v63  }
0x26: {  	p0 =	sne.s32 s19, $0x1;
	s19 =	sadd.s32 $0xFFFFFFFF, s19;
	_ =	swait.ge [sflag:s16], $0x4000  }
.Ltmp1:
0x27: {  	[sflag:s16] =	ssyncset.done $0x0;
	(pc) =	sbr.rel @p0 .LBB2_2-.Ltmp1, $4  }
0x28: {  	[sflag:s16] =	ssyncadd.s32 $0xFFFFC000  }
0x29: {  	[spmem:s2] =	stream.indirect.scatter.add.f32 [tilespmem:s15], [sflag:$0x2], $0x80, s18, s14, $0xb8;
	[tilespmem:$0x1E400] =	vst v63  }
0x2a: {  	_ =	swait.ge [sflag:s13], $0x4000  }
0x2b: {  	[sflag:s13] =	ssyncset.done $0x0  }
.LBB2_3:
0x2c: {  	s17 =	sadd.s32 $0x1, s17  }
0x2d: {  	[sflag:s13] =	ssyncadd.s32 $0xFFFFC000;
	p0 =	sne.s32 s17, s11  }
.Ltmp2:
0x2e: {  	[bflag:$0x0] =	sbarrier.arrive $0xFFFF;
	(pc) =	sbr.rel @p0 .LBB2_1-.Ltmp2, $4  }
0x2f: {  	[hbm:s10], [sflag:s6] =	dma.local [spmem:s12], $0x2780  }
0x30: {  	_ =	swait.ge [sflag:s13], $0x2780  }
0x31: {  	[sflag:s13] =	ssyncset.done $0x0  }
0x32: {  	[sflag:s13] =	ssyncadd.s32 $0xFFFFD880  }
0x33: {  	_ =	sfence.sel $0x180000  }
0x34: {  	[bflag:$0x0] =	sbarrier.arrive $0xFFFF  }
0x35: {  	p0 =	sne.s32 s0, $0x0;
	_ =	strace $0x9000004A  }
0x36: {  	s0 =	sadd.s32 @!p0 $0x100000, s1;
	[bflag:$0x2] =	sbarrier.arrive $0xFFFF  }
0x37: {  	[sflag:s0] =	ssyncadd.tile.s32 @!p0 $0x1;
	_ =	shalt  }
.Lfunc_end2:
_tile_overlayer_lowered:
.L_overlay_start_2:
0x38: {  	(tag) =	ssettag $0x2  }
0x39: {  	s0 =	rddreg [dreg:$0x0];
	s2 =	stileid.u32  }
0x3a: {  	s1 =	rddreg [dreg:$0x1];
	p0 =	sne.s32 s2, $0x0  }
0x3b: {  	s3 =	rddreg [dreg:$0x2];
	[bflag:$0x3] =	sbarrier.arrive $0xFFFF;
	s2 =	simm.s32 @!p0 $0x1C02  }
0x3c: {  	[timem:s3], [sflag:s2] =	dma.local @!p0 [hbm:s0], s1  }
0x3d: {  	s0 =	simm.s32 @!p0 $0x2  }
0x3e: {  	_ =	swait.ge @!p0 [sflag:s0], s1  }
0x3f: {  	s1 =	ssub.s32 @!p0 $0x0, s1;
	[sflag:s0] =	ssyncset.done @!p0 $0x0  }
0x40: {  	[sflag:s0] =	ssyncadd.s32 @!p0 s1  }
0x41: {  	[bflag:$0x3] =	sbarrier.arrive $0xFFFF  }
0x42: {  	_ =	shalt  }

// kernel: kernel.18.cloned.1.call-start
scs
__scs_entry_jumppad:
0x0: {  	(pc) =	sbr.rel $0x88, $3  }
0x1: {  	(tag) =	ssettag $0x0;
	lr =	simm.s32 $0x1  }
0x2: {  	[smem:$0x3F91] =	sst lr;
	_ =	strace $0xD0000000  }
0x3: {  	_ = 	snop  }
0x4: {  	_ = 	snop  }
0x5: {  	_ = 	snop  }
0x6: {  	_ = 	snop  }
0x7: {  	_ = 	snop  }
__scs_overlays_trampoline_lowered:
0x8: {  	[smem:$0x3FA0] =	sst s0  }
0x9: {  	[smem:$0x3FA1] =	sst s1  }
0xa: {  	[smem:$0x3FA2] =	sst s2  }
0xb: {  	[smem:$0x3FA3] =	sst s3  }
0xc: {  	[smem:$0x3FA4] =	sst s4  }
0xd: {  	[smem:$0x3FA5] =	sst s5  }
0xe: {  	[smem:$0x3FA6] =	sst s6  }
0xf: {  	[smem:$0x3FA7] =	sst s7  }
0x10: {  	[smem:$0x3FA8] =	sst s8  }
0x11: {  	[smem:$0x3FA9] =	sst s9;
	s0 =	simm.s32 @!p0 $0x0  }
0x12: {  	s1 =	sld [smem:$0x3F8F];
	s0 =	simm.s32 @p0 $0x1  }
0x13: {  	[smem:$0x3FAA] =	sst s0;
	s0 =	simm.s32 @!p1 $0x0  }
0x14: {  	s2 =	sld [smem:$0x3F8E];
	s0 =	simm.s32 @p1 $0x1  }
0x15: {  	[smem:$0x3FAB] =	sst s0;
	s0 =	simm.s32 @!p2 $0x0  }
0x16: {  	s3 =	sld [smem:$0x3FDB];
	s0 =	simm.s32 @p2 $0x1  }
0x17: {  	s4 =	simm.s32 $0x1BF5;
	[smem:$0x3FAD] =	sst s0  }
0x18: {  	s0 =	sld [smem:$0x3F90];
	_ =	swait.ge [sflag:s4], $0x0  }
0x19: {  	s7 =	sld [smem:$0x3F91]  }
0x1a: {  	s8 =	sadd.s32 $0xFFFFE003, lr  }
0x1b: {  	s9 =	sadd.s32 $0xFFFFFEF7, lr;
	s5 =	simm.s32 $0xFFFFFFFF;
	p2 =	slt.u32 s8, $0xFFFFF086  }
0x1c: {  	p1 =	slt.u32 s9, $0xF7A;
	s5 =	simm.s32 @!p2 $0x0  }
0x1d: {  	s5 =	simm.s32 @p1 $0x1;
	p0 =	seq.s32 s7, s2  }
0x1e: {  	s7 =	smul.u32 @!p0 $0xF7A, s2;
	p2 =	seq.s32 @!p0 s5, $0x0  }
0x1f: {  	s9 =	smul.u32 $0xF7A, s1;
	s8 =	simm.s32 @!p0 $0x1BF5;
	p2 =	por !p2, p0  }
0x20: {  	[sflag:s8] =	ssyncset.s32 @!p0 $0xFFFFF086;
	s6 =	sadd.s32 @!p0 s3, s7;
	s7 =	simm.s32 @!p0 $0x108  }
0x21: {  	s3 =	sadd.s32 s3, s9;
	s6 =	sadd.s32 @!p0 $0x88, s6;
	s7 =	simm.s32 @p2 $0x1082  }
0x22: {  	[simem:s7], [sflag:s8] =	dma.local @!p0 [hbm:s6], $0xF7A  }
0x23: {  	s9 =	sor.u32 $0xD0000000, s2;
	s6 =	simm.s32 $0x108;
	_ =	swait.ge @!p0 [sflag:s8], $0x0  }
0x24: {  	s3 =	sadd.s32 $0x88, s3;
	s6 =	simm.s32 @!p1 $0x1082;
	[sflag:s4] =	ssyncset.s32 $0xFFFFF086  }
0x25: {  	[simem:s6], [sflag:s4] =	dma.local [hbm:s3], $0xF7A  }
0x26: {  	[smem:$0x3F91] =	sst s1;
	(tag) =	ssettag s2;
	_ =	strace s9  }
0x27: {  	s1 =	sld [smem:$0x3FA1]  }
0x28: {  	s2 =	sld [smem:$0x3FA2]  }
0x29: {  	s4 =	sld [smem:$0x3FA4]  }
0x2a: {  	p0 =	seq.s32 s5, $0x0;
	s5 =	sld [smem:$0x3FA5]  }
0x2b: {  	s6 =	sld [smem:$0x3FA6]  }
0x2c: {  	s7 =	sld [smem:$0x3FA7]  }
0x2d: {  	s3 =	simm.s32 $0x108;
	s8 =	sld [smem:$0x3FA8]  }
0x2e: {  	s3 =	simm.s32 @!p0 $0x1082;
	s9 =	sld [smem:$0x3FA9]  }
0x2f: {  	lr =	sadd.s32 s0, s3;
	s0 =	sld [smem:$0x3FA0]  }
0x30: {  	s3 =	sld [smem:$0x3FA3]  }
0x31: {  	[smem:$0x3FAC] =	sst s10  }
0x32: {  	s10 =	sld [smem:$0x3FAA];
	_ =	sdelay $0x3  }
0x33: {  	p0 =	seq.s32 s10, $0x1;
	s10 =	sld [smem:$0x3FAC];
	_ =	sdelay $0x3  }
0x34: {  	[smem:$0x3FAC] =	sst s10  }
0x35: {  	s10 =	sld [smem:$0x3FAB];
	_ =	sdelay $0x3  }
0x36: {  	p1 =	seq.s32 s10, $0x1;
	s10 =	sld [smem:$0x3FAC];
	_ =	sdelay $0x3  }
0x37: {  	[smem:$0x3FAC] =	sst s10  }
0x38: {  	s10 =	sld [smem:$0x3FAD]  }
0x39: {  	_ = 	snop;
	(pc) =	sbr.ind lr, $3  }
0x3a: {  	_ = 	snop  }
0x3b: {  	_ = 	snop  }
0x3c: {  	p2 =	seq.s32 s10, $0x1;
	s10 =	sld [smem:$0x3FAC]  }
0x3d: {  	_ =	shalt  }
0x3e: {  	_ =	shalt  }
0x3f: {  	_ =	shalt  }
0x40: {  	_ =	shalt  }
0x41: {  	_ =	shalt  }
0x42: {  	_ =	shalt  }
0x43: {  	_ =	shalt  }
0x44: {  	_ =	shalt  }
0x45: {  	_ =	shalt  }
0x46: {  	_ =	shalt  }
0x47: {  	_ =	shalt  }
0x48: {  	_ =	shalt  }
0x49: {  	_ =	shalt  }
0x4a: {  	_ =	shalt  }
0x4b: {  	_ =	shalt  }
0x4c: {  	_ =	shalt  }
0x4d: {  	_ =	shalt  }
0x4e: {  	_ =	shalt  }
0x4f: {  	_ =	shalt  }
0x50: {  	_ =	shalt  }
0x51: {  	_ =	shalt  }
0x52: {  	_ =	shalt  }
0x53: {  	_ =	shalt  }
0x54: {  	_ =	shalt  }
0x55: {  	_ =	shalt  }
0x56: {  	_ =	shalt  }
0x57: {  	_ =	shalt  }
0x58: {  	_ =	shalt  }
0x59: {  	_ =	shalt  }
0x5a: {  	_ =	shalt  }
0x5b: {  	_ =	shalt  }
0x5c: {  	_ =	shalt  }
0x5d: {  	_ =	shalt  }
0x5e: {  	_ =	shalt  }
0x5f: {  	_ =	shalt  }
0x60: {  	_ =	shalt  }
0x61: {  	_ =	shalt  }
0x62: {  	_ =	shalt  }
0x63: {  	_ =	shalt  }
0x64: {  	_ =	shalt  }
0x65: {  	_ =	shalt  }
0x66: {  	_ =	shalt  }
0x67: {  	_ =	shalt  }
0x68: {  	_ =	shalt  }
0x69: {  	_ =	shalt  }
0x6a: {  	_ =	shalt  }
0x6b: {  	_ =	shalt  }
0x6c: {  	_ =	shalt  }
0x6d: {  	_ =	shalt  }
0x6e: {  	_ =	shalt  }
0x6f: {  	_ =	shalt  }
0x70: {  	_ =	shalt  }
0x71: {  	_ =	shalt  }
0x72: {  	_ =	shalt  }
0x73: {  	_ =	shalt  }
0x74: {  	_ =	shalt  }
0x75: {  	_ =	shalt  }
0x76: {  	_ =	shalt  }
0x77: {  	_ =	shalt  }
0x78: {  	_ =	shalt  }
0x79: {  	_ =	shalt  }
0x7a: {  	_ =	shalt  }
0x7b: {  	_ =	shalt  }
0x7c: {  	_ =	shalt  }
0x7d: {  	_ =	shalt  }
0x7e: {  	_ =	shalt  }
0x7f: {  	_ =	shalt  }
0x80: {  	_ =	shalt  }
0x81: {  	_ =	shalt  }
0x82: {  	_ =	shalt  }
0x83: {  	_ =	shalt  }
0x84: {  	_ =	shalt  }
0x85: {  	_ =	shalt  }
0x86: {  	_ =	shalt  }
0x87: {  	_ =	shalt  }
.Lfunc_end0:
.L_simem_size_0:
called_computation.2_lowered:
.L_overlay_start_0:
0x88: {  	s2 =	sld [smem:$0x3FD9]  }
0x89: {  	s3 =	sld [smem:$0x3FFE];
	_ =	sdelay $0x1  }
0x8a: {  	s1 =	srdreg.scid  }
0x8b: {  	s0 =	sand.u32 $0x1, s1  }
0x8c: {  	s16 =	sshll.u32 s0, $0xA;
	s2 =	sadd.s32 s3, s2  }
0x8d: {  	s2 =	sadd.s32 s2, s16  }
0x8e: {  	[smem:$0x3FB8] =	sst s2  }
0x8f: {  	_ = 	snop  }
0x90: {  	(tm) =	ssettm $0x1  }
0x91: {  	s17 =	sld [smem:$0x3FFB];
	_ =	sdelay $0x3  }
0x92: {  	_ =	strace s17  }
0x93: {  	s2 =	sld [smem:$0x3FFC];
	_ =	sdelay $0x3  }
0x94: {  	_ =	strace s2  }
0x95: {  	s2 =	sld [smem:$0x3FFD];
	_ =	sdelay $0x3  }
0x96: {  	_ =	strace s2  }
0x97: {  	_ =	strace $0x8FFFFFFF  }
0x98: {  	s18 =	sld [smem:$0x3FDB];
	_ =	sdelay $0x1  }
0x99: {  	s19 =	simm.s32 $_scs_section_size  }
0x9a: {  	s4 =	simm.s32 $_size__tile_overlayer_lowered;
	s5 =	simm.s32 $_tile_overlayer_lowered  }
0x9b: {  	s22 =	simm.s32 $0x1BFF;
	s21 =	sshll.u32 s5, $0x1;
	s2 =	sadd.s32 s19, s18  }
0x9c: {  	s6 =	simm.s32 $0x0;
	s20 =	sshll.u32 s4, $0x1;
	s4 =	sadd.s32 s21, s2  }
0x9d: {  	[timem:s6], [sflag:s22] =	dma.local [hbm:s4], s20  }
0x9e: {  	_ =	swait.ge [sflag:s22], s20  }
0x9f: {  	s3 =	ssub.s32 $0x0, s20;
	[sflag:s22] =	ssyncset.done $0x0  }
0xa0: {  	[sflag:s22] =	ssyncadd.s32 s3;
	_ =	sdelay $0x1  }
0xa1: {  	s23 =	simm.s32 $0x1B8B  }
0xa2: {  	_ =	swait.ge [sflag:s23], $0x1  }
0xa3: {  	[sflag:s23] =	ssyncset.done $0x0  }
0xa4: {  	s25 =	simm.s32 $0x1B8E;
	s24 =	sld [smem:$0x3FFE];
	[sflag:s23] =	ssyncadd.s32 $0xFFFFFFFF  }
0xa5: {  	s26 =	simm.s32 $execute0_lowered;
	[smem:$0x3FD2] =	sst s25  }
0xa6: {  	s4 =	sshll.u32 s26, $0x1;
	_ =	strace $0x8000004C;
	[dreg:$0x1] =	wrdreg $0xFFFFFFFF  }
0xa7: {  	s28 =	simm.s32 $_size_execute0_lowered;
	s2 =	sadd.s32 s2, s4;
	[dreg:$0x0] =	wrdreg $0x0  }
0xa8: {  	s4 =	sshll.u32 s28, $0x1;
	[dreg:$0x2] =	wrdreg s2  }
0xa9: {  	[dreg:$0x3] =	wrdreg s4  }
0xaa: {  	[dreg:$0x4] =	wrdreg $0xC0  }
0xab: {  	_ =	task [dreg:s6], $0x5FFFF  }
0xac: {  	[dreg:$0x1] =	wrdreg $0xFFFFFFFF  }
0xad: {  	[dreg:$0x0] =	wrdreg $0x60  }
0xae: {  	[dreg:$0x2] =	wrdreg s24  }
0xaf: {  	[dreg:$0x3] =	wrdreg $0xA8000  }
0xb0: {  	[dreg:$0x4] =	wrdreg $0x9  }
0xb1: {  	_ =	task.clear_ibuf [dreg:s6], $0x5FFFF;
	_ =	strace $0x9000004C  }
0xb2: {  	s29 =	simm.s32 $0x9;
	_ =	strace $0x8000004E  }
0xb3: {  	_ =	swait.ge [sflag:s29], $0x1  }
0xb4: {  	[sflag:s29] =	ssyncadd.s32 $0xFFFFFFFF  }
0xb5: {  	_ =	strace $0x9000004E  }
0xb6: {  	_ =	sfence  }
0xb7: {  	s30 =	sld [smem:$0x0];
	_ =	sdelay $0x2  }
0xb8: {  	s31 =	sshll.u32 s1, $0xD;
	s1 =	sshrl.u32 s1, $0x2  }
0xb9: {  	s3 =	sand.u32 $0x4000, s31;
	s1 =	sadd.s32 s1, s30  }
0xba: {  	s0 =	sor.u32 s3, s0;
	s1 =	sshll.u32 s1, $0x11  }
0xbb: {  	s0 =	sor.u32 s1, s0  }
0xbc: {  	s0 =	sadd.s32 $0x8F2B, s0  }
0xbd: {  	[sflag:s0] =	ssyncadd.remote.s32 $0x1  }
0xbe: {  	_ =	sfence.sel $0xFFFF  }
0xbf: {  	[dreg:$0x0] =	wrdreg $0xFFFFFFFF;
	(pc) =	sbr.abs _section_cstart, $3  }
0xc0: {  	[dreg:$0x1] =	wrdreg $0xFFFFFFFF  }
0xc1: {  	_ =	task.clear_ibuf [dreg:s6], $0x2FFFF;
	_ =	strace $0x9FFFFFFF  }
0xc2: {  	(tm) =	ssettm $0x7FFFFFFF  }
0xc3: {  	_ =	shalt  }
tec
execute0_lowered:
.L_overlay_start_1:
0x0: {  	(tag) =	ssettag $0x1  }
0x1: {  	s1 =	srdreg.scid;
	s5 =	rddreg [dreg:$0x0]  }
0x2: {  	s0 =	stileid.u32;
	s2 =	rddreg [dreg:$0x1];
	s3 =	simm.s32 $0x0  }
0x3: {  	s14 =	simm.s32 $0x80;
	s15 =	simm.s32 $0x6800;
	s4 =	smul.u32 $0x6800, s0  }
0x4: {  	s16 =	simm.s32 $0x1;
	s17 =	simm.s32 $0x0;
	s25 =	smul.u32 $0x13C00, s0  }
0x5: {  	s9 =	sand.u32 $0x1, s1;
	s1 =	rddreg [dreg:$0x2];
	s28 =	smul.u32 $0x4F000, s0  }
0x6: {  	[smem:$0x7FF] =	sst s3;
	s31 =	sshll.u32 s0, $0x6;
	s6 =	smul.u32 $0x3400, s9  }
0x7: {  	s8 =	smul.u32 $0x13C000, s9;
	_ =	strace $0x8000004D;
	s11 =	ssub.s32 $0x2, s9  }
0x8: {  	p0 =	seq.s32 s9, $0x0;
	s9 =	simm.s32 $0x66;
	s26 =	sshrl.u32 s25, $0x3  }
0x9: {  	s29 =	sshrl.u32 s11, $0x1;
	s30 =	sshrl.u32 s28, $0x2;
	s9 =	simm.s32 @!p0 $0x37  }
0xa: {  	s4 =	sadd.s32 s6, s4;
	s6 =	sadd.s32 s25, s8;
	s11 =	ssub.s32 s11, s29  }
0xb: {  	s13 =	sadd.s32 s30, s2;
	s7 =	sshrl.u32 s4, $0x3;
	s4 =	sadd.s32 $0x6600, s5  }
0xc: {  	s6 =	sshrl.u32 s6, $0x3;
	s11 =	smax.u32 s11, $0x1;
	s10 =	sadd.s32 s7, s5  }
0xd: {  	s7 =	sadd.s32 s26, s5;
	s12 =	sadd.s32 s6, s5;
	s6 =	sor.u32 $0x1C02, s31  }
0xe: {  	s5 =	sadd.s32 $0x47800, s7;
	s7 =	sadd.s32 $0x2D800, s10;
	s8 =	sadd.s32 $0x3A800, s10  }
0xf: {  	s10 =	sadd.s32 $0x6F000, s12;
	s12 =	sshrl.u32 s13, $0x3;
	s13 =	simm.s32 $0x2  }
.LBB2_1:
0x10: {  	[spmem:s12], [sflag:s6] =	dma.local [hbm:s5], $0x2780  }
0x11: {  	_ =	swait.ge [sflag:s13], $0x2780  }
0x12: {  	[sflag:s13] =	ssyncset.done $0x0  }
0x13: {  	[sflag:s13] =	ssyncadd.s32 $0xFFFFD880  }
0x14: {  	[tilespmem:s3], [sflag:$0x2] =	stream.linear.gather [hbm4b:s7+s3], $0x3300, $0x38;
	[tilespmem:$0x1E400] =	vst v63  }
0x15: {  	_ =	swait.ge [sflag:s13], $0x3300  }
0x16: {  	[sflag:s13] =	ssyncset.done $0x0  }
0x17: {  	s18 =	simm.s32 $0x3400;
	[sflag:s13] =	ssyncadd.s32 $0xFFFFCD00  }
0x18: {  	[tilespmem:s18], [sflag:$0x2] =	stream.linear.gather [hbm4b:s8+s3], $0x3300, $0x38;
	[tilespmem:$0x1E400] =	vst v63  }
0x19: {  	_ =	swait.ge [sflag:s13], $0x3300  }
0x1a: {  	[sflag:s13] =	ssyncset.done $0x0  }
0x1b: {  	[sflag:s13] =	ssyncadd.s32 $0xFFFFCD00  }
0x1c: {  	[bflag:$0x0] =	sbarrier.arrive $0xFFFF  }
0x1d: {  	[tilespmem:s15], [sflag:$0x1] =	stream.indirect.gather [hbm4b:s4+s14], $0x80, s3, s14, $0xb8;
	[tilespmem:$0x1E400] =	vst v63  }
0x1e: {  	p0 =	sne.s32 s9, $0x1;
	_ =	swait.ge [sflag:s16], $0x4000  }
.Ltmp0:
0x1f: {  	[sflag:s16] =	ssyncset.done $0x0;
	(pc) =	sbr.rel @!p0 .LBB2_3-.Ltmp0, $4  }
0x20: {  	[sflag:s16] =	ssyncadd.s32 $0xFFFFC000  }
0x21: {  	[spmem:s2] =	stream.indirect.scatter.add.f32 [tilespmem:s15], [sflag:$0x2], $0x80, s18, s14, $0xb8;
	[tilespmem:$0x1E400] =	vst v63  }
0x22: {  	_ =	swait.ge [sflag:s13], $0x4000  }
0x23: {  	s19 =	sadd.s32 $0xFFFFFFFF, s9;
	s20 =	simm.s32 $0x0;
	[sflag:s13] =	ssyncset.done $0x0  }
.LBB2_2:
0x24: {  	[sflag:s13] =	ssyncadd.s32 $0xFFFFC000;
	s20 =	sadd.s32 $0x80, s20;
	s18 =	sadd.s32 $0x80, s18  }
0x25: {  	[tilespmem:s15], [sflag:$0x1] =	stream.indirect.gather [hbm4b:s4+s14], $0x80, s20, s14, $0xb8;
	[tilespmem:$0x1E400] =	vst v63  }
0x26: {  	p0 =	sne.s32 s19, $0x1;
	s19 =	sadd.s32 $0xFFFFFFFF, s19;
	_ =	swait.ge [sflag:s16], $0x4000  }
.Ltmp1:
0x27: {  	[sflag:s16] =	ssyncset.done $0x0;
	(pc) =	sbr.rel @p0 .LBB2_2-.Ltmp1, $4  }
0x28: {  	[sflag:s16] =	ssyncadd.s32 $0xFFFFC000  }
0x29: {  	[spmem:s2] =	stream.indirect.scatter.add.f32 [tilespmem:s15], [sflag:$0x2], $0x80, s18, s14, $0xb8;
	[tilespmem:$0x1E400] =	vst v63  }
0x2a: {  	_ =	swait.ge [sflag:s13], $0x4000  }
0x2b: {  	[sflag:s13] =	ssyncset.done $0x0  }
.LBB2_3:
0x2c: {  	s17 =	sadd.s32 $0x1, s17  }
0x2d: {  	[sflag:s13] =	ssyncadd.s32 $0xFFFFC000;
	p0 =	sne.s32 s17, s11  }
.Ltmp2:
0x2e: {  	[bflag:$0x0] =	sbarrier.arrive $0xFFFF;
	(pc) =	sbr.rel @p0 .LBB2_1-.Ltmp2, $4  }
0x2f: {  	[hbm:s10], [sflag:s6] =	dma.local [spmem:s12], $0x2780  }
0x30: {  	_ =	swait.ge [sflag:s13], $0x2780  }
0x31: {  	[sflag:s13] =	ssyncset.done $0x0  }
0x32: {  	[sflag:s13] =	ssyncadd.s32 $0xFFFFD880  }
0x33: {  	_ =	sfence.sel $0x180000  }
0x34: {  	[bflag:$0x0] =	sbarrier.arrive $0xFFFF  }
0x35: {  	p0 =	sne.s32 s0, $0x0;
	_ =	strace $0x9000004D  }
0x36: {  	s0 =	sadd.s32 @!p0 $0x100000, s1;
	[bflag:$0x2] =	sbarrier.arrive $0xFFFF  }
0x37: {  	[sflag:s0] =	ssyncadd.tile.s32 @!p0 $0x1;
	_ =	shalt  }
.Lfunc_end2:
_tile_overlayer_lowered:
.L_overlay_start_2:
0x38: {  	(tag) =	ssettag $0x2  }
0x39: {  	s0 =	rddreg [dreg:$0x0];
	s2 =	stileid.u32  }
0x3a: {  	s1 =	rddreg [dreg:$0x1];
	p0 =	sne.s32 s2, $0x0  }
0x3b: {  	s3 =	rddreg [dreg:$0x2];
	[bflag:$0x3] =	sbarrier.arrive $0xFFFF;
	s2 =	simm.s32 @!p0 $0x1C02  }
0x3c: {  	[timem:s3], [sflag:s2] =	dma.local @!p0 [hbm:s0], s1  }
0x3d: {  	s0 =	simm.s32 @!p0 $0x2  }
0x3e: {  	_ =	swait.ge @!p0 [sflag:s0], s1  }
0x3f: {  	s1 =	ssub.s32 @!p0 $0x0, s1;
	[sflag:s0] =	ssyncset.done @!p0 $0x0  }
0x40: {  	[sflag:s0] =	ssyncadd.s32 @!p0 s1  }
0x41: {  	[bflag:$0x3] =	sbarrier.arrive $0xFFFF  }
0x42: {  	_ =	shalt  }

// kernel: kernel.21.cloned.1.call-start
scs
__scs_entry_jumppad:
0x0: {  	(pc) =	sbr.rel $0x88, $3  }
0x1: {  	(tag) =	ssettag $0x0;
	lr =	simm.s32 $0x1  }
0x2: {  	[smem:$0x3F91] =	sst lr;
	_ =	strace $0xD0000000  }
0x3: {  	_ = 	snop  }
0x4: {  	_ = 	snop  }
0x5: {  	_ = 	snop  }
0x6: {  	_ = 	snop  }
0x7: {  	_ = 	snop  }
__scs_overlays_trampoline_lowered:
0x8: {  	[smem:$0x3FA0] =	sst s0  }
0x9: {  	[smem:$0x3FA1] =	sst s1  }
0xa: {  	[smem:$0x3FA2] =	sst s2  }
0xb: {  	[smem:$0x3FA3] =	sst s3  }
0xc: {  	[smem:$0x3FA4] =	sst s4  }
0xd: {  	[smem:$0x3FA5] =	sst s5  }
0xe: {  	[smem:$0x3FA6] =	sst s6  }
0xf: {  	[smem:$0x3FA7] =	sst s7  }
0x10: {  	[smem:$0x3FA8] =	sst s8  }
0x11: {  	[smem:$0x3FA9] =	sst s9;
	s0 =	simm.s32 @!p0 $0x0  }
0x12: {  	s1 =	sld [smem:$0x3F8F];
	s0 =	simm.s32 @p0 $0x1  }
0x13: {  	[smem:$0x3FAA] =	sst s0;
	s0 =	simm.s32 @!p1 $0x0  }
0x14: {  	s2 =	sld [smem:$0x3F8E];
	s0 =	simm.s32 @p1 $0x1  }
0x15: {  	[smem:$0x3FAB] =	sst s0;
	s0 =	simm.s32 @!p2 $0x0  }
0x16: {  	s3 =	sld [smem:$0x3FDB];
	s0 =	simm.s32 @p2 $0x1  }
0x17: {  	s4 =	simm.s32 $0x1BF5;
	[smem:$0x3FAD] =	sst s0  }
0x18: {  	s0 =	sld [smem:$0x3F90];
	_ =	swait.ge [sflag:s4], $0x0  }
0x19: {  	s7 =	sld [smem:$0x3F91]  }
0x1a: {  	s8 =	sadd.s32 $0xFFFFE003, lr  }
0x1b: {  	s9 =	sadd.s32 $0xFFFFFEF7, lr;
	s5 =	simm.s32 $0xFFFFFFFF;
	p2 =	slt.u32 s8, $0xFFFFF086  }
0x1c: {  	p1 =	slt.u32 s9, $0xF7A;
	s5 =	simm.s32 @!p2 $0x0  }
0x1d: {  	s5 =	simm.s32 @p1 $0x1;
	p0 =	seq.s32 s7, s2  }
0x1e: {  	s7 =	smul.u32 @!p0 $0xF7A, s2;
	p2 =	seq.s32 @!p0 s5, $0x0  }
0x1f: {  	s9 =	smul.u32 $0xF7A, s1;
	s8 =	simm.s32 @!p0 $0x1BF5;
	p2 =	por !p2, p0  }
0x20: {  	[sflag:s8] =	ssyncset.s32 @!p0 $0xFFFFF086;
	s6 =	sadd.s32 @!p0 s3, s7;
	s7 =	simm.s32 @!p0 $0x108  }
0x21: {  	s3 =	sadd.s32 s3, s9;
	s6 =	sadd.s32 @!p0 $0x88, s6;
	s7 =	simm.s32 @p2 $0x1082  }
0x22: {  	[simem:s7], [sflag:s8] =	dma.local @!p0 [hbm:s6], $0xF7A  }
0x23: {  	s9 =	sor.u32 $0xD0000000, s2;
	s6 =	simm.s32 $0x108;
	_ =	swait.ge @!p0 [sflag:s8], $0x0  }
0x24: {  	s3 =	sadd.s32 $0x88, s3;
	s6 =	simm.s32 @!p1 $0x1082;
	[sflag:s4] =	ssyncset.s32 $0xFFFFF086  }
0x25: {  	[simem:s6], [sflag:s4] =	dma.local [hbm:s3], $0xF7A  }
0x26: {  	[smem:$0x3F91] =	sst s1;
	(tag) =	ssettag s2;
	_ =	strace s9  }
0x27: {  	s1 =	sld [smem:$0x3FA1]  }
0x28: {  	s2 =	sld [smem:$0x3FA2]  }
0x29: {  	s4 =	sld [smem:$0x3FA4]  }
0x2a: {  	p0 =	seq.s32 s5, $0x0;
	s5 =	sld [smem:$0x3FA5]  }
0x2b: {  	s6 =	sld [smem:$0x3FA6]  }
0x2c: {  	s7 =	sld [smem:$0x3FA7]  }
0x2d: {  	s3 =	simm.s32 $0x108;
	s8 =	sld [smem:$0x3FA8]  }
0x2e: {  	s3 =	simm.s32 @!p0 $0x1082;
	s9 =	sld [smem:$0x3FA9]  }
0x2f: {  	lr =	sadd.s32 s0, s3;
	s0 =	sld [smem:$0x3FA0]  }
0x30: {  	s3 =	sld [smem:$0x3FA3]  }
0x31: {  	[smem:$0x3FAC] =	sst s10  }
0x32: {  	s10 =	sld [smem:$0x3FAA];
	_ =	sdelay $0x3  }
0x33: {  	p0 =	seq.s32 s10, $0x1;
	s10 =	sld [smem:$0x3FAC];
	_ =	sdelay $0x3  }
0x34: {  	[smem:$0x3FAC] =	sst s10  }
0x35: {  	s10 =	sld [smem:$0x3FAB];
	_ =	sdelay $0x3  }
0x36: {  	p1 =	seq.s32 s10, $0x1;
	s10 =	sld [smem:$0x3FAC];
	_ =	sdelay $0x3  }
0x37: {  	[smem:$0x3FAC] =	sst s10  }
0x38: {  	s10 =	sld [smem:$0x3FAD]  }
0x39: {  	_ = 	snop;
	(pc) =	sbr.ind lr, $3  }
0x3a: {  	_ = 	snop  }
0x3b: {  	_ = 	snop  }
0x3c: {  	p2 =	seq.s32 s10, $0x1;
	s10 =	sld [smem:$0x3FAC]  }
0x3d: {  	_ =	shalt  }
0x3e: {  	_ =	shalt  }
0x3f: {  	_ =	shalt  }
0x40: {  	_ =	shalt  }
0x41: {  	_ =	shalt  }
0x42: {  	_ =	shalt  }
0x43: {  	_ =	shalt  }
0x44: {  	_ =	shalt  }
0x45: {  	_ =	shalt  }
0x46: {  	_ =	shalt  }
0x47: {  	_ =	shalt  }
0x48: {  	_ =	shalt  }
0x49: {  	_ =	shalt  }
0x4a: {  	_ =	shalt  }
0x4b: {  	_ =	shalt  }
0x4c: {  	_ =	shalt  }
0x4d: {  	_ =	shalt  }
0x4e: {  	_ =	shalt  }
0x4f: {  	_ =	shalt  }
0x50: {  	_ =	shalt  }
0x51: {  	_ =	shalt  }
0x52: {  	_ =	shalt  }
0x53: {  	_ =	shalt  }
0x54: {  	_ =	shalt  }
0x55: {  	_ =	shalt  }
0x56: {  	_ =	shalt  }
0x57: {  	_ =	shalt  }
0x58: {  	_ =	shalt  }
0x59: {  	_ =	shalt  }
0x5a: {  	_ =	shalt  }
0x5b: {  	_ =	shalt  }
0x5c: {  	_ =	shalt  }
0x5d: {  	_ =	shalt  }
0x5e: {  	_ =	shalt  }
0x5f: {  	_ =	shalt  }
0x60: {  	_ =	shalt  }
0x61: {  	_ =	shalt  }
0x62: {  	_ =	shalt  }
0x63: {  	_ =	shalt  }
0x64: {  	_ =	shalt  }
0x65: {  	_ =	shalt  }
0x66: {  	_ =	shalt  }
0x67: {  	_ =	shalt  }
0x68: {  	_ =	shalt  }
0x69: {  	_ =	shalt  }
0x6a: {  	_ =	shalt  }
0x6b: {  	_ =	shalt  }
0x6c: {  	_ =	shalt  }
0x6d: {  	_ =	shalt  }
0x6e: {  	_ =	shalt  }
0x6f: {  	_ =	shalt  }
0x70: {  	_ =	shalt  }
0x71: {  	_ =	shalt  }
0x72: {  	_ =	shalt  }
0x73: {  	_ =	shalt  }
0x74: {  	_ =	shalt  }
0x75: {  	_ =	shalt  }
0x76: {  	_ =	shalt  }
0x77: {  	_ =	shalt  }
0x78: {  	_ =	shalt  }
0x79: {  	_ =	shalt  }
0x7a: {  	_ =	shalt  }
0x7b: {  	_ =	shalt  }
0x7c: {  	_ =	shalt  }
0x7d: {  	_ =	shalt  }
0x7e: {  	_ =	shalt  }
0x7f: {  	_ =	shalt  }
0x80: {  	_ =	shalt  }
0x81: {  	_ =	shalt  }
0x82: {  	_ =	shalt  }
0x83: {  	_ =	shalt  }
0x84: {  	_ =	shalt  }
0x85: {  	_ =	shalt  }
0x86: {  	_ =	shalt  }
0x87: {  	_ =	shalt  }
.Lfunc_end0:
.L_simem_size_0:
called_computation.3_lowered:
.L_overlay_start_0:
0x88: {  	s2 =	sld [smem:$0x3FD9]  }
0x89: {  	s3 =	sld [smem:$0x3FFE];
	_ =	sdelay $0x1  }
0x8a: {  	s1 =	srdreg.scid  }
0x8b: {  	s0 =	sand.u32 $0x1, s1  }
0x8c: {  	s16 =	sshll.u32 s0, $0xA;
	s2 =	sadd.s32 s3, s2  }
0x8d: {  	s2 =	sadd.s32 s2, s16  }
0x8e: {  	[smem:$0x3FB8] =	sst s2  }
0x8f: {  	_ = 	snop  }
0x90: {  	(tm) =	ssettm $0x1  }
0x91: {  	s17 =	sld [smem:$0x3FFB];
	_ =	sdelay $0x3  }
0x92: {  	_ =	strace s17  }
0x93: {  	s2 =	sld [smem:$0x3FFC];
	_ =	sdelay $0x3  }
0x94: {  	_ =	strace s2  }
0x95: {  	s2 =	sld [smem:$0x3FFD];
	_ =	sdelay $0x3  }
0x96: {  	_ =	strace s2  }
0x97: {  	_ =	strace $0x8FFFFFFF  }
0x98: {  	s18 =	sld [smem:$0x3FDB];
	_ =	sdelay $0x1  }
0x99: {  	s19 =	simm.s32 $_scs_section_size  }
0x9a: {  	s4 =	simm.s32 $_size__tile_overlayer_lowered;
	s5 =	simm.s32 $_tile_overlayer_lowered  }
0x9b: {  	s22 =	simm.s32 $0x1BFF;
	s21 =	sshll.u32 s5, $0x1;
	s2 =	sadd.s32 s19, s18  }
0x9c: {  	s6 =	simm.s32 $0x0;
	s20 =	sshll.u32 s4, $0x1;
	s4 =	sadd.s32 s21, s2  }
0x9d: {  	[timem:s6], [sflag:s22] =	dma.local [hbm:s4], s20  }
0x9e: {  	_ =	swait.ge [sflag:s22], s20  }
0x9f: {  	s3 =	ssub.s32 $0x0, s20;
	[sflag:s22] =	ssyncset.done $0x0  }
0xa0: {  	[sflag:s22] =	ssyncadd.s32 s3;
	_ =	sdelay $0x1  }
0xa1: {  	s23 =	simm.s32 $0x1B8B  }
0xa2: {  	_ =	swait.ge [sflag:s23], $0x1  }
0xa3: {  	[sflag:s23] =	ssyncset.done $0x0  }
0xa4: {  	s25 =	simm.s32 $0x1B8E;
	s24 =	sld [smem:$0x3FFE];
	[sflag:s23] =	ssyncadd.s32 $0xFFFFFFFF  }
0xa5: {  	s26 =	simm.s32 $execute0_lowered;
	[smem:$0x3FD2] =	sst s25  }
0xa6: {  	s4 =	sshll.u32 s26, $0x1;
	_ =	strace $0x8000004F;
	[dreg:$0x1] =	wrdreg $0xFFFFFFFF  }
0xa7: {  	s28 =	simm.s32 $_size_execute0_lowered;
	s2 =	sadd.s32 s2, s4;
	[dreg:$0x0] =	wrdreg $0x0  }
0xa8: {  	s4 =	sshll.u32 s28, $0x1;
	[dreg:$0x2] =	wrdreg s2  }
0xa9: {  	[dreg:$0x3] =	wrdreg s4  }
0xaa: {  	[dreg:$0x4] =	wrdreg $0xC0  }
0xab: {  	_ =	task [dreg:s6], $0x5FFFF  }
0xac: {  	[dreg:$0x1] =	wrdreg $0xFFFFFFFF  }
0xad: {  	[dreg:$0x0] =	wrdreg $0x60  }
0xae: {  	[dreg:$0x2] =	wrdreg s24  }
0xaf: {  	[dreg:$0x3] =	wrdreg $0xA8000  }
0xb0: {  	[dreg:$0x4] =	wrdreg $0x9  }
0xb1: {  	_ =	task.clear_ibuf [dreg:s6], $0x5FFFF;
	_ =	strace $0x9000004F  }
0xb2: {  	s29 =	simm.s32 $0x9;
	_ =	strace $0x80000051  }
0xb3: {  	_ =	swait.ge [sflag:s29], $0x1  }
0xb4: {  	[sflag:s29] =	ssyncadd.s32 $0xFFFFFFFF  }
0xb5: {  	_ =	strace $0x90000051  }
0xb6: {  	_ =	sfence  }
0xb7: {  	s30 =	sld [smem:$0x0];
	_ =	sdelay $0x2  }
0xb8: {  	s31 =	sshll.u32 s1, $0xD;
	s1 =	sshrl.u32 s1, $0x2  }
0xb9: {  	s3 =	sand.u32 $0x4000, s31;
	s1 =	sadd.s32 s1, s30  }
0xba: {  	s0 =	sor.u32 s3, s0;
	s1 =	sshll.u32 s1, $0x11  }
0xbb: {  	s0 =	sor.u32 s1, s0  }
0xbc: {  	s0 =	sadd.s32 $0x8F2B, s0  }
0xbd: {  	[sflag:s0] =	ssyncadd.remote.s32 $0x1  }
0xbe: {  	_ =	sfence.sel $0xFFFF  }
0xbf: {  	[dreg:$0x0] =	wrdreg $0xFFFFFFFF;
	(pc) =	sbr.abs _section_cstart, $3  }
0xc0: {  	[dreg:$0x1] =	wrdreg $0xFFFFFFFF  }
0xc1: {  	_ =	task.clear_ibuf [dreg:s6], $0x2FFFF;
	_ =	strace $0x9FFFFFFF  }
0xc2: {  	(tm) =	ssettm $0x7FFFFFFF  }
0xc3: {  	_ =	shalt  }
tec
execute0_lowered:
.L_overlay_start_1:
0x0: {  	(tag) =	ssettag $0x1  }
0x1: {  	s1 =	srdreg.scid;
	s5 =	rddreg [dreg:$0x0]  }
0x2: {  	s0 =	stileid.u32;
	s2 =	rddreg [dreg:$0x1];
	s3 =	simm.s32 $0x0  }
0x3: {  	s14 =	simm.s32 $0x80;
	s15 =	simm.s32 $0x6800;
	s4 =	smul.u32 $0x6800, s0  }
0x4: {  	s16 =	simm.s32 $0x1;
	s17 =	simm.s32 $0x0;
	s25 =	smul.u32 $0x13C00, s0  }
0x5: {  	s9 =	sand.u32 $0x1, s1;
	s1 =	rddreg [dreg:$0x2];
	s28 =	smul.u32 $0x4F000, s0  }
0x6: {  	[smem:$0x7FF] =	sst s3;
	s31 =	sshll.u32 s0, $0x6;
	s6 =	smul.u32 $0x3400, s9  }
0x7: {  	s8 =	smul.u32 $0x13C000, s9;
	_ =	strace $0x80000050;
	s11 =	ssub.s32 $0x2, s9  }
0x8: {  	p0 =	seq.s32 s9, $0x0;
	s9 =	simm.s32 $0x66;
	s26 =	sshrl.u32 s25, $0x3  }
0x9: {  	s29 =	sshrl.u32 s11, $0x1;
	s30 =	sshrl.u32 s28, $0x2;
	s9 =	simm.s32 @!p0 $0x37  }
0xa: {  	s4 =	sadd.s32 s6, s4;
	s6 =	sadd.s32 s25, s8;
	s11 =	ssub.s32 s11, s29  }
0xb: {  	s13 =	sadd.s32 s30, s2;
	s7 =	sshrl.u32 s4, $0x3;
	s4 =	sadd.s32 $0x6F000, s5  }
0xc: {  	s6 =	sshrl.u32 s6, $0x3;
	s11 =	smax.u32 s11, $0x1;
	s10 =	sadd.s32 s7, s5  }
0xd: {  	s7 =	sadd.s32 s26, s5;
	s12 =	sadd.s32 s6, s5;
	s6 =	sor.u32 $0x1C02, s31  }
0xe: {  	s5 =	sadd.s32 $0x47800, s7;
	s7 =	sadd.s32 $0x2D800, s10;
	s8 =	sadd.s32 $0x3A800, s10  }
0xf: {  	s10 =	sadd.s32 $0x96200, s12;
	s12 =	sshrl.u32 s13, $0x3;
	s13 =	simm.s32 $0x2  }
.LBB2_1:
0x10: {  	[spmem:s12], [sflag:s6] =	dma.local [hbm:s5], $0x2780  }
0x11: {  	_ =	swait.ge [sflag:s13], $0x2780  }
0x12: {  	[sflag:s13] =	ssyncset.done $0x0  }
0x13: {  	[sflag:s13] =	ssyncadd.s32 $0xFFFFD880  }
0x14: {  	[tilespmem:s3], [sflag:$0x2] =	stream.linear.gather [hbm4b:s7+s3], $0x3300, $0x38;
	[tilespmem:$0x1E400] =	vst v63  }
0x15: {  	_ =	swait.ge [sflag:s13], $0x3300  }
0x16: {  	[sflag:s13] =	ssyncset.done $0x0  }
0x17: {  	s18 =	simm.s32 $0x3400;
	[sflag:s13] =	ssyncadd.s32 $0xFFFFCD00  }
0x18: {  	[tilespmem:s18], [sflag:$0x2] =	stream.linear.gather [hbm4b:s8+s3], $0x3300, $0x38;
	[tilespmem:$0x1E400] =	vst v63  }
0x19: {  	_ =	swait.ge [sflag:s13], $0x3300  }
0x1a: {  	[sflag:s13] =	ssyncset.done $0x0  }
0x1b: {  	[sflag:s13] =	ssyncadd.s32 $0xFFFFCD00  }
0x1c: {  	[bflag:$0x0] =	sbarrier.arrive $0xFFFF  }
0x1d: {  	[tilespmem:s15], [sflag:$0x1] =	stream.indirect.gather [hbm4b:s4+s14], $0x80, s3, s14, $0xb8;
	[tilespmem:$0x1E400] =	vst v63  }
0x1e: {  	p0 =	sne.s32 s9, $0x1;
	_ =	swait.ge [sflag:s16], $0x4000  }
.Ltmp0:
0x1f: {  	[sflag:s16] =	ssyncset.done $0x0;
	(pc) =	sbr.rel @!p0 .LBB2_3-.Ltmp0, $4  }
0x20: {  	[sflag:s16] =	ssyncadd.s32 $0xFFFFC000  }
0x21: {  	[spmem:s2] =	stream.indirect.scatter.add.f32 [tilespmem:s15], [sflag:$0x2], $0x80, s18, s14, $0xb8;
	[tilespmem:$0x1E400] =	vst v63  }
0x22: {  	_ =	swait.ge [sflag:s13], $0x4000  }
0x23: {  	s19 =	sadd.s32 $0xFFFFFFFF, s9;
	s20 =	simm.s32 $0x0;
	[sflag:s13] =	ssyncset.done $0x0  }
.LBB2_2:
0x24: {  	[sflag:s13] =	ssyncadd.s32 $0xFFFFC000;
	s20 =	sadd.s32 $0x80, s20;
	s18 =	sadd.s32 $0x80, s18  }
0x25: {  	[tilespmem:s15], [sflag:$0x1] =	stream.indirect.gather [hbm4b:s4+s14], $0x80, s20, s14, $0xb8;
	[tilespmem:$0x1E400] =	vst v63  }
0x26: {  	p0 =	sne.s32 s19, $0x1;
	s19 =	sadd.s32 $0xFFFFFFFF, s19;
	_ =	swait.ge [sflag:s16], $0x4000  }
.Ltmp1:
0x27: {  	[sflag:s16] =	ssyncset.done $0x0;
	(pc) =	sbr.rel @p0 .LBB2_2-.Ltmp1, $4  }
0x28: {  	[sflag:s16] =	ssyncadd.s32 $0xFFFFC000  }
0x29: {  	[spmem:s2] =	stream.indirect.scatter.add.f32 [tilespmem:s15], [sflag:$0x2], $0x80, s18, s14, $0xb8;
	[tilespmem:$0x1E400] =	vst v63  }
0x2a: {  	_ =	swait.ge [sflag:s13], $0x4000  }
0x2b: {  	[sflag:s13] =	ssyncset.done $0x0  }
.LBB2_3:
0x2c: {  	s17 =	sadd.s32 $0x1, s17  }
0x2d: {  	[sflag:s13] =	ssyncadd.s32 $0xFFFFC000;
	p0 =	sne.s32 s17, s11  }
.Ltmp2:
0x2e: {  	[bflag:$0x0] =	sbarrier.arrive $0xFFFF;
	(pc) =	sbr.rel @p0 .LBB2_1-.Ltmp2, $4  }
0x2f: {  	[hbm:s10], [sflag:s6] =	dma.local [spmem:s12], $0x2780  }
0x30: {  	_ =	swait.ge [sflag:s13], $0x2780  }
0x31: {  	[sflag:s13] =	ssyncset.done $0x0  }
0x32: {  	[sflag:s13] =	ssyncadd.s32 $0xFFFFD880  }
0x33: {  	_ =	sfence.sel $0x180000  }
0x34: {  	[bflag:$0x0] =	sbarrier.arrive $0xFFFF  }
0x35: {  	p0 =	sne.s32 s0, $0x0;
	_ =	strace $0x90000050  }
0x36: {  	s0 =	sadd.s32 @!p0 $0x100000, s1;
	[bflag:$0x2] =	sbarrier.arrive $0xFFFF  }
0x37: {  	[sflag:s0] =	ssyncadd.tile.s32 @!p0 $0x1;
	_ =	shalt  }
.Lfunc_end2:
_tile_overlayer_lowered:
.L_overlay_start_2:
0x38: {  	(tag) =	ssettag $0x2  }
0x39: {  	s0 =	rddreg [dreg:$0x0];
	s2 =	stileid.u32  }
0x3a: {  	s1 =	rddreg [dreg:$0x1];
	p0 =	sne.s32 s2, $0x0  }
0x3b: {  	s3 =	rddreg [dreg:$0x2];
	[bflag:$0x3] =	sbarrier.arrive $0xFFFF;
	s2 =	simm.s32 @!p0 $0x1C02  }
0x3c: {  	[timem:s3], [sflag:s2] =	dma.local @!p0 [hbm:s0], s1  }
0x3d: {  	s0 =	simm.s32 @!p0 $0x2  }
0x3e: {  	_ =	swait.ge @!p0 [sflag:s0], s1  }
0x3f: {  	s1 =	ssub.s32 @!p0 $0x0, s1;
	[sflag:s0] =	ssyncset.done @!p0 $0x0  }
0x40: {  	[sflag:s0] =	ssyncadd.s32 @!p0 s1  }
0x41: {  	[bflag:$0x3] =	sbarrier.arrive $0xFFFF  }
0x42: {  	_ =	shalt  }

</sc_bundles>
